<compile_context>
chip_gen: v7x
topology: tpu7x:2x2x1
jax: 0.10.2.dev20260603
libtpu: 0.0.44.dev20260713+nightly
codegen_flags: <defaults>
</compile_context>

<pallas_src>
import functools

import jax
import jax.numpy as jnp
from jax import lax
from jax.experimental import pallas as pl
from jax.experimental.pallas import tpu as pltpu
from jax.experimental.pallas import tpu_sc as plsc

_D = 64
_BLK = 128


@functools.lru_cache(maxsize=None)
def _build(n_tok, n_seq):
    info = plsc.get_sparse_core_info()
    nw = info.num_cores * info.num_subcores
    n_blocks = n_tok * n_seq // _BLK
    blocks_per_w = n_blocks // nw
    mesh = plsc.VectorSubcoreMesh(core_axis_name="c", subcore_axis_name="s")

    @functools.partial(
        pl.kernel,
        mesh=mesh,
        out_type=jax.ShapeDtypeStruct((n_seq, _D // 8, n_tok // _BLK, 8 * _BLK),
                                      jnp.float32),
        compiler_params=pltpu.CompilerParams(use_tc_tiling_on_sc=False,
                                             needs_layout_passes=False),
        scratch_types=[
            pltpu.VMEM((blocks_per_w, _BLK), jnp.int32),
            pltpu.VMEM((_BLK, _D), jnp.float32),
            pltpu.VMEM((_BLK, _D), jnp.float32),
            pltpu.VMEM((_BLK, _D + 1), jnp.float32),
            pltpu.VMEM((_D // 8, 8 * _BLK), jnp.float32),
            pltpu.VMEM((_D // 8, 8 * _BLK), jnp.float32),
            pltpu.SemaphoreType.DMA,
            pltpu.SemaphoreType.DMA,
            pltpu.SemaphoreType.DMA,
            pltpu.SemaphoreType.DMA,
        ],
    )
    def gather_kernel(tids_hbm, table_hbm, out_hbm,
                      idx_v, buf0, buf1, bufsk, tp0, tp1,
                      gsem0, gsem1, wsem0, wsem1):
        wid = lax.axis_index("s") * info.num_cores + lax.axis_index("c")
        blk0 = wid * blocks_per_w
        bufs = (buf0, buf1)
        tps = (tp0, tp1)
        gsems = (gsem0, gsem1)
        wsems = (wsem0, wsem1)
        iota = lax.iota(jnp.int32, 16)
        rows = [iota + (16 * c) for c in range(_BLK // 16)]

        pltpu.sync_copy(tids_hbm.at[pl.ds(blk0, blocks_per_w)], idx_v)

        def fire_gather(k, buf, sem):
            pltpu.async_copy(table_hbm.at[idx_v.at[k]], buf, sem)

        def transpose(buf, tp):
            @plsc.parallel_loop(0, _BLK // 4, unroll=4)
            def skew_body(s):
                for u in range(4):
                    tok = s * 4 + u
                    for q in range(_D // 16):
                        bufsk[tok, pl.ds(16 * q, 16)] = buf[tok, pl.ds(16 * q, 16)]

            @plsc.parallel_loop(0, _D, unroll=4)
            def col_body(d):
                cols = jnp.full((16,), d, dtype=jnp.int32)
                dg = d // 8
                off = (d % 8) * _BLK
                for c in range(_BLK // 16):
                    v = plsc.load_gather(bufsk, [rows[c], cols])
                    tp[dg, pl.ds(off + 16 * c, 16)] = v

        def write_out(k, tp, sem):
            blk = blk0 + k
            t = blk // (n_tok // _BLK)
            bg = blk - t * (n_tok // _BLK)
            pltpu.async_copy(tp, out_hbm.at[t, :, bg], sem)

        fire_gather(0, buf0, gsem0)

        def pair_body(i, carry):
            for b in range(2):
                k = i * 2 + b

                if b == 0:
                    fire_gather(k + 1, bufs[1 - b], gsems[1 - b])
                else:
                    @pl.when(i < blocks_per_w // 2 - 1)
                    def _(b=b, k=k):
                        fire_gather(k + 1, bufs[1 - b], gsems[1 - b])

                pltpu.make_async_copy(
                    table_hbm.at[idx_v.at[k]], bufs[b], gsems[b]
                ).wait()

                @pl.when(i >= 1)
                def _(b=b):
                    pltpu.make_async_copy(
                        tps[b], out_hbm.at[0, :, 0], wsems[b]
                    ).wait()

                transpose(bufs[b], tps[b])
                write_out(k, tps[b], wsems[b])
            return carry

        lax.fori_loop(0, blocks_per_w // 2, pair_body, 0)
        pltpu.make_async_copy(tp0, out_hbm.at[0, :, 0], wsem0).wait()
        pltpu.make_async_copy(tp1, out_hbm.at[0, :, 0], wsem1).wait()

    return gather_kernel


def kernel(token_ids, weight):
    n_tok, n_seq = token_ids.shape
    tids = token_ids.T.reshape(n_tok * n_seq // _BLK, _BLK).astype(jnp.int32)
    out4 = _build(n_tok, n_seq)(tids, weight)
    out5 = out4.reshape(n_seq, _D // 8, n_tok // _BLK, 8, _BLK)
    return out5.transpose(2, 4, 0, 1, 3).reshape(n_tok, n_seq, _D)

# --- scband reference (transcript-rebuilt; emitter-appended) ---
"""Pipeline reference for scband-embedding-83803401879581 (READ-ONLY COPY).

The authoritative reference and input builder live on the scoring server;
editing this copy changes nothing except your own understanding.
"""

import jax, jax.numpy as jnp
import numpy as np

NUM_EMBEDDINGS = 1000000
EMBEDDING_DIM = 64

def setup_inputs(seed: int = 0) -> dict:
    key = jax.random.key(seed)
    k1, k2 = jax.random.split(key)
    token_ids = jax.random.randint(k1, (16384, 50), 0, NUM_EMBEDDINGS, dtype=jnp.int64 if jax.config.jax_enable_x64 else jnp.int32)
    # truncated normal init, std=1.0, truncated to [-3, 3]
    weight = jax.random.truncated_normal(k2, -3.0, 3.0, (NUM_EMBEDDINGS, EMBEDDING_DIM), dtype=jnp.float32)
    return {"token_ids": token_ids, "weight": weight}

def reference(token_ids, weight):
    # Faithful translation of: return self.weight[token_ids]
    return jnp.take(weight, token_ids, axis=0)

if __name__ == "__main__":
    import jax
    _d = setup_inputs()
    print(jax.jit(kernel)(*tuple(_d.values())))

</pallas_src>

<mosaic_0001>
#map = affine_map<(d0, d1) -> (0, 0)>
#map1 = affine_map<(d0, d1) -> (0, 0, 0, 0)>
module attributes {stable_mosaic.version = 14 : i64} {
  func.func @gather_kernel(%arg0: i32, %arg1: i32, %arg2: memref<6400x128xi32, #tpu.memory_space<hbm>>, %arg3: memref<1000000x64xf32, #tpu.memory_space<hbm>>, %arg4: memref<50x8x128x1024xf32, #tpu.memory_space<hbm>>, %arg5: memref<200x128xi32, #tpu.memory_space<vmem>>, %arg6: memref<128x64xf32, #tpu.memory_space<vmem>>, %arg7: memref<128x64xf32, #tpu.memory_space<vmem>>, %arg8: memref<128x65xf32, #tpu.memory_space<vmem>>, %arg9: memref<8x1024xf32, #tpu.memory_space<vmem>>, %arg10: memref<8x1024xf32, #tpu.memory_space<vmem>>, %arg11: memref<!tpu.dma_semaphore, #tpu.memory_space<semaphore_mem>>, %arg12: memref<!tpu.dma_semaphore, #tpu.memory_space<semaphore_mem>>, %arg13: memref<!tpu.dma_semaphore, #tpu.memory_space<semaphore_mem>>, %arg14: memref<!tpu.dma_semaphore, #tpu.memory_space<semaphore_mem>>) attributes {dimension_semantics = [#tpu.dimension_semantics<core_parallel>, #tpu.dimension_semantics<subcore_parallel>], iteration_bounds = array<i64: 2, 16>, scalar_prefetch = 0 : i64, scratch_operands = 10 : i64, tpu.core_type = #tpu.core_type<sc_vector_subcore>, window_params = [{transform_indices = #map}, {transform_indices = #map}, {transform_indices = #map1}]} {
    %mul3A = arith.constant 2 : i32
    %mul3A_0 = arith.muli %arg1, %mul3A : i32
    %add3A = arith.addi %mul3A_0, %arg0 : i32
    %mul3A_1 = arith.constant 200 : i32
    %mul3A_2 = arith.muli %add3A, %mul3A_1 : i32
    %iota3A = tpu.iota {dimensions = array<i32: 0>} : vector<16xi32>
    %add3A_3 = arith.constant 0 : i32
    %add3A_4 = vector.broadcast %add3A_3 : i32 to vector<16xi32>
    %add3A_5 = arith.addi %iota3A, %add3A_4 : vector<16xi32>
    %add3A_6 = arith.constant 16 : i32
    %add3A_7 = vector.broadcast %add3A_6 : i32 to vector<16xi32>
    %add3A_8 = arith.addi %iota3A, %add3A_7 : vector<16xi32>
    %add3A_9 = arith.constant 32 : i32
    %add3A_10 = vector.broadcast %add3A_9 : i32 to vector<16xi32>
    %add3A_11 = arith.addi %iota3A, %add3A_10 : vector<16xi32>
    %add3A_12 = arith.constant 48 : i32
    %add3A_13 = vector.broadcast %add3A_12 : i32 to vector<16xi32>
    %add3A_14 = arith.addi %iota3A, %add3A_13 : vector<16xi32>
    %add3A_15 = arith.constant 64 : i32
    %add3A_16 = vector.broadcast %add3A_15 : i32 to vector<16xi32>
    %add3A_17 = arith.addi %iota3A, %add3A_16 : vector<16xi32>
    %add3A_18 = arith.constant 80 : i32
    %add3A_19 = vector.broadcast %add3A_18 : i32 to vector<16xi32>
    %add3A_20 = arith.addi %iota3A, %add3A_19 : vector<16xi32>
    %add3A_21 = arith.constant 96 : i32
    %add3A_22 = vector.broadcast %add3A_21 : i32 to vector<16xi32>
    %add3A_23 = arith.addi %iota3A, %add3A_22 : vector<16xi32>
    %add3A_24 = arith.constant 112 : i32
    %add3A_25 = vector.broadcast %add3A_24 : i32 to vector<16xi32>
    %add3A_26 = arith.addi %iota3A, %add3A_25 : vector<16xi32>
    "tpu.region"() ({
      %run_scoped3A = tpu.sem_alloc : memref<!tpu.dma_semaphore, #tpu.memory_space<semaphore_mem>>
      %dma_start3A_57 = arith.constant 0 : i32
      %dma_start3A_58 = tpu.memref_slice %arg2[%mul3A_2, %dma_start3A_57] : memref<6400x128xi32, #tpu.memory_space<hbm>> -> memref<200x128xi32, #tpu.memory_space<hbm>>
      %dma_start3A_59 = arith.constant 0 : i32
      %dma_start3A_60 = tpu.memref_slice %arg2[%mul3A_2, %dma_start3A_59] : memref<6400x128xi32, #tpu.memory_space<hbm>> -> memref<200x128xi32, #tpu.memory_space<hbm>>
      tpu.enqueue_dma source(%dma_start3A_60 : memref<200x128xi32, #tpu.memory_space<hbm>>) target(%arg5 : memref<200x128xi32, #tpu.memory_space<vmem>>) target_semaphore(%run_scoped3A : memref<!tpu.dma_semaphore, #tpu.memory_space<semaphore_mem>>)
      %dma_wait3A_61 = arith.constant 0 : i32
      %dma_wait3A_62 = tpu.memref_slice %arg2[%mul3A_2, %dma_wait3A_61] : memref<6400x128xi32, #tpu.memory_space<hbm>> -> memref<200x128xi32, #tpu.memory_space<hbm>>
      %dma_wait3A_63 = arith.constant 0 : i32
      %dma_wait3A_64 = tpu.memref_slice %arg2[%mul3A_2, %dma_wait3A_63] : memref<6400x128xi32, #tpu.memory_space<hbm>> -> memref<200x128xi32, #tpu.memory_space<hbm>>
      tpu.wait_dma2 semaphore(%run_scoped3A : memref<!tpu.dma_semaphore, #tpu.memory_space<semaphore_mem>>) src(%dma_wait3A_64 : memref<200x128xi32, #tpu.memory_space<hbm>>) dst(%arg5 : memref<200x128xi32, #tpu.memory_space<vmem>>)
      tpu.yield
    }) : () -> ()
    %dma_start3A = arith.constant 0 : i32
    %dma_start3A_27 = arith.constant 0 : i32
    %dma_start3A_28 = tpu.memref_slice %arg5[%dma_start3A, %dma_start3A_27] : memref<200x128xi32, #tpu.memory_space<vmem>> -> memref<1x128xi32, #tpu.memory_space<vmem>>
    %dma_start3A_29 = tpu.memref_squeeze %dma_start3A_28 : memref<1x128xi32, #tpu.memory_space<vmem>> -> memref<128xi32, #tpu.memory_space<vmem>>
    %dma_start3A_30 = arith.constant 0 : i32
    %dma_start3A_31 = arith.constant 0 : i32
    %dma_start3A_32 = tpu.memref_slice %arg3[%dma_start3A_30, %dma_start3A_31] : memref<1000000x64xf32, #tpu.memory_space<hbm>> -> memref<1000000x64xf32, #tpu.memory_space<hbm>>
    tpu.enqueue_indirect_dma source(%dma_start3A_32 : memref<1000000x64xf32, #tpu.memory_space<hbm>>) target(%arg6 : memref<128x64xf32, #tpu.memory_space<vmem>>) offsets(%dma_start3A_29 : memref<128xi32, #tpu.memory_space<vmem>>) semaphore(%arg11 : memref<!tpu.dma_semaphore, #tpu.memory_space<semaphore_mem>>)
    %scan3A = arith.constant 0 : i32
    %scan3A_33 = arith.constant 0 : i32
    %scan3A_34 = arith.constant 100 : i32
    %scan3A_35 = arith.addi %scan3A_33, %scan3A_34 : i32
    %scan3A_36 = arith.constant 1 : i32
    scf.for %scan3A_57 = %scan3A_33 to %scan3A_35 step %scan3A_36  : i32 {
      %mul3A_58 = arith.constant 2 : i32
      %mul3A_59 = arith.muli %scan3A_57, %mul3A_58 : i32
      %add3A_60 = arith.constant 0 : i32
      %add3A_61 = arith.addi %mul3A_59, %add3A_60 : i32
      %add3A_62 = arith.constant 1 : i32
      %add3A_63 = arith.addi %add3A_61, %add3A_62 : i32
      %dma_start3A_64 = arith.constant 0 : i32
      %dma_start3A_65 = tpu.memref_slice %arg5[%add3A_63, %dma_start3A_64] : memref<200x128xi32, #tpu.memory_space<vmem>> -> memref<1x128xi32, #tpu.memory_space<vmem>>
      %dma_start3A_66 = tpu.memref_squeeze %dma_start3A_65 : memref<1x128xi32, #tpu.memory_space<vmem>> -> memref<128xi32, #tpu.memory_space<vmem>>
      %dma_start3A_67 = arith.constant 0 : i32
      %dma_start3A_68 = arith.constant 0 : i32
      %dma_start3A_69 = tpu.memref_slice %arg3[%dma_start3A_67, %dma_start3A_68] : memref<1000000x64xf32, #tpu.memory_space<hbm>> -> memref<1000000x64xf32, #tpu.memory_space<hbm>>
      tpu.enqueue_indirect_dma source(%dma_start3A_69 : memref<1000000x64xf32, #tpu.memory_space<hbm>>) target(%arg7 : memref<128x64xf32, #tpu.memory_space<vmem>>) offsets(%dma_start3A_66 : memref<128xi32, #tpu.memory_space<vmem>>) semaphore(%arg12 : memref<!tpu.dma_semaphore, #tpu.memory_space<semaphore_mem>>)
      %dma_wait3A_70 = arith.constant 0 : i32
      %dma_wait3A_71 = tpu.memref_slice %arg5[%add3A_61, %dma_wait3A_70] : memref<200x128xi32, #tpu.memory_space<vmem>> -> memref<1x128xi32, #tpu.memory_space<vmem>>
      %dma_wait3A_72 = tpu.memref_squeeze %dma_wait3A_71 : memref<1x128xi32, #tpu.memory_space<vmem>> -> memref<128xi32, #tpu.memory_space<vmem>>
      %dma_wait3A_73 = arith.constant 0 : i32
      %dma_wait3A_74 = arith.constant 0 : i32
      %dma_wait3A_75 = tpu.memref_slice %arg3[%dma_wait3A_73, %dma_wait3A_74] : memref<1000000x64xf32, #tpu.memory_space<hbm>> -> memref<1000000x64xf32, #tpu.memory_space<hbm>>
      tpu.wait_indirect_dma semaphore(%arg11 : memref<!tpu.dma_semaphore, #tpu.memory_space<semaphore_mem>>) src(%dma_wait3A_75 : memref<1000000x64xf32, #tpu.memory_space<hbm>>) dst(%arg6 : memref<128x64xf32, #tpu.memory_space<vmem>>)
      %ge3A = arith.constant 1 : i32
      %ge3A_76 = arith.cmpi sge, %scan3A_57, %ge3A : i32
      %convert_element_type3A = arith.extui %ge3A_76 : i1 to i32
      %cond3A = arith.constant 0 : i32
      %cond3A_77 = arith.cmpi ne, %convert_element_type3A, %cond3A : i32
      scf.if %cond3A_77 {
        %dma_wait3A_172 = arith.constant 0 : i32
        %dma_wait3A_173 = arith.constant 0 : i32
        %dma_wait3A_174 = arith.constant 0 : i32
        %dma_wait3A_175 = arith.constant 0 : i32
        %dma_wait3A_176 = tpu.memref_slice %arg4[%dma_wait3A_172, %dma_wait3A_174, %dma_wait3A_173, %dma_wait3A_175] : memref<50x8x128x1024xf32, #tpu.memory_space<hbm>> -> memref<1x8x1x1024xf32, #tpu.memory_space<hbm>>
        %dma_wait3A_177 = tpu.memref_squeeze %dma_wait3A_176 : memref<1x8x1x1024xf32, #tpu.memory_space<hbm>> -> memref<8x1024xf32, #tpu.memory_space<hbm>>
        %dma_wait3A_178 = arith.constant 0 : i32
        %dma_wait3A_179 = arith.constant 0 : i32
        %dma_wait3A_180 = tpu.memref_slice %arg4[%dma_wait3A_172, %dma_wait3A_178, %dma_wait3A_173, %dma_wait3A_179] : memref<50x8x128x1024xf32, #tpu.memory_space<hbm>> -> memref<1x8x1x1024xf32, #tpu.memory_space<hbm>>
        %dma_wait3A_181 = tpu.memref_squeeze %dma_wait3A_180 : memref<1x8x1x1024xf32, #tpu.memory_space<hbm>> -> memref<8x1024xf32, #tpu.memory_space<hbm>>
        tpu.wait_dma2 semaphore(%arg13 : memref<!tpu.dma_semaphore, #tpu.memory_space<semaphore_mem>>) src(%arg9 : memref<8x1024xf32, #tpu.memory_space<vmem>>) dst(%dma_wait3A_181 : memref<8x1024xf32, #tpu.memory_space<hbm>>)
      } else {
      }
      %parallel_loop3A = arith.constant 0 : i32
      %parallel_loop3A_78 = arith.constant 32 : i32
      %parallel_loop3A_79 = arith.constant 1 : i32
      scf.for %parallel_loop3A_172 = %parallel_loop3A to %parallel_loop3A_78 step %parallel_loop3A_79  : i32 {
        %parallel_loop3A_173 = arith.constant 4 : i32
        %parallel_loop3A_174 = arith.muli %parallel_loop3A_172, %parallel_loop3A_173 : i32
        %parallel_loop3A_175 = arith.constant 0 : i32
        %parallel_loop3A_176 = arith.addi %parallel_loop3A_174, %parallel_loop3A_175 : i32
        %parallel_loop3A_177 = arith.index_cast %parallel_loop3A_176 : i32 to index
        %parallel_loop3A_178 = arith.constant 0 : index
        %parallel_loop3A_179 = tpu.vector_load %arg6[%parallel_loop3A_177, %parallel_loop3A_178] {strides = array<i32>} : memref<128x64xf32, #tpu.memory_space<vmem>>, vector<16xf32>,
        %parallel_loop3A_180 = arith.index_cast %parallel_loop3A_176 : i32 to index
        %parallel_loop3A_181 = arith.constant 0 : index
        %parallel_loop3A_182 = tpu.vector_load %arg8[%parallel_loop3A_180, %parallel_loop3A_181] {strides = array<i32>} : memref<128x65xf32, #tpu.memory_space<vmem>>, vector<16xf32>,
        tpu.vector_store %arg8[%parallel_loop3A_180, %parallel_loop3A_181], %parallel_loop3A_179 {strides = array<i32>} : memref<128x65xf32, #tpu.memory_space<vmem>>, vector<16xf32>,
        %parallel_loop3A_183 = arith.index_cast %parallel_loop3A_176 : i32 to index
        %parallel_loop3A_184 = arith.constant 16 : index
        %parallel_loop3A_185 = tpu.vector_load %arg6[%parallel_loop3A_183, %parallel_loop3A_184] {strides = array<i32>} : memref<128x64xf32, #tpu.memory_space<vmem>>, vector<16xf32>,
        %parallel_loop3A_186 = arith.index_cast %parallel_loop3A_176 : i32 to index
        %parallel_loop3A_187 = arith.constant 16 : index
        %parallel_loop3A_188 = tpu.vector_load %arg8[%parallel_loop3A_186, %parallel_loop3A_187] {strides = array<i32>} : memref<128x65xf32, #tpu.memory_space<vmem>>, vector<16xf32>,
        tpu.vector_store %arg8[%parallel_loop3A_186, %parallel_loop3A_187], %parallel_loop3A_185 {strides = array<i32>} : memref<128x65xf32, #tpu.memory_space<vmem>>, vector<16xf32>,
        %parallel_loop3A_189 = arith.index_cast %parallel_loop3A_176 : i32 to index
        %parallel_loop3A_190 = arith.constant 32 : index
        %parallel_loop3A_191 = tpu.vector_load %arg6[%parallel_loop3A_189, %parallel_loop3A_190] {strides = array<i32>} : memref<128x64xf32, #tpu.memory_space<vmem>>, vector<16xf32>,
        %parallel_loop3A_192 = arith.index_cast %parallel_loop3A_176 : i32 to index
        %parallel_loop3A_193 = arith.constant 32 : index
        %parallel_loop3A_194 = tpu.vector_load %arg8[%parallel_loop3A_192, %parallel_loop3A_193] {strides = array<i32>} : memref<128x65xf32, #tpu.memory_space<vmem>>, vector<16xf32>,
        tpu.vector_store %arg8[%parallel_loop3A_192, %parallel_loop3A_193], %parallel_loop3A_191 {strides = array<i32>} : memref<128x65xf32, #tpu.memory_space<vmem>>, vector<16xf32>,
        %parallel_loop3A_195 = arith.index_cast %parallel_loop3A_176 : i32 to index
        %parallel_loop3A_196 = arith.constant 48 : index
        %parallel_loop3A_197 = tpu.vector_load %arg6[%parallel_loop3A_195, %parallel_loop3A_196] {strides = array<i32>} : memref<128x64xf32, #tpu.memory_space<vmem>>, vector<16xf32>,
        %parallel_loop3A_198 = arith.index_cast %parallel_loop3A_176 : i32 to index
        %parallel_loop3A_199 = arith.constant 48 : index
        %parallel_loop3A_200 = tpu.vector_load %arg8[%parallel_loop3A_198, %parallel_loop3A_199] {strides = array<i32>} : memref<128x65xf32, #tpu.memory_space<vmem>>, vector<16xf32>,
        tpu.vector_store %arg8[%parallel_loop3A_198, %parallel_loop3A_199], %parallel_loop3A_197 {strides = array<i32>} : memref<128x65xf32, #tpu.memory_space<vmem>>, vector<16xf32>,
        %parallel_loop3A_201 = arith.constant 4 : i32
        %parallel_loop3A_202 = arith.muli %parallel_loop3A_172, %parallel_loop3A_201 : i32
        %parallel_loop3A_203 = arith.constant 1 : i32
        %parallel_loop3A_204 = arith.addi %parallel_loop3A_202, %parallel_loop3A_203 : i32
        %parallel_loop3A_205 = arith.index_cast %parallel_loop3A_204 : i32 to index
        %parallel_loop3A_206 = arith.constant 0 : index
        %parallel_loop3A_207 = tpu.vector_load %arg6[%parallel_loop3A_205, %parallel_loop3A_206] {strides = array<i32>} : memref<128x64xf32, #tpu.memory_space<vmem>>, vector<16xf32>,
        %parallel_loop3A_208 = arith.index_cast %parallel_loop3A_204 : i32 to index
        %parallel_loop3A_209 = arith.constant 0 : index
        %parallel_loop3A_210 = tpu.vector_load %arg8[%parallel_loop3A_208, %parallel_loop3A_209] {strides = array<i32>} : memref<128x65xf32, #tpu.memory_space<vmem>>, vector<16xf32>,
        tpu.vector_store %arg8[%parallel_loop3A_208, %parallel_loop3A_209], %parallel_loop3A_207 {strides = array<i32>} : memref<128x65xf32, #tpu.memory_space<vmem>>, vector<16xf32>,
        %parallel_loop3A_211 = arith.index_cast %parallel_loop3A_204 : i32 to index
        %parallel_loop3A_212 = arith.constant 16 : index
        %parallel_loop3A_213 = tpu.vector_load %arg6[%parallel_loop3A_211, %parallel_loop3A_212] {strides = array<i32>} : memref<128x64xf32, #tpu.memory_space<vmem>>, vector<16xf32>,
        %parallel_loop3A_214 = arith.index_cast %parallel_loop3A_204 : i32 to index
        %parallel_loop3A_215 = arith.constant 16 : index
        %parallel_loop3A_216 = tpu.vector_load %arg8[%parallel_loop3A_214, %parallel_loop3A_215] {strides = array<i32>} : memref<128x65xf32, #tpu.memory_space<vmem>>, vector<16xf32>,
        tpu.vector_store %arg8[%parallel_loop3A_214, %parallel_loop3A_215], %parallel_loop3A_213 {strides = array<i32>} : memref<128x65xf32, #tpu.memory_space<vmem>>, vector<16xf32>,
        %parallel_loop3A_217 = arith.index_cast %parallel_loop3A_204 : i32 to index
        %parallel_loop3A_218 = arith.constant 32 : index
        %parallel_loop3A_219 = tpu.vector_load %arg6[%parallel_loop3A_217, %parallel_loop3A_218] {strides = array<i32>} : memref<128x64xf32, #tpu.memory_space<vmem>>, vector<16xf32>,
        %parallel_loop3A_220 = arith.index_cast %parallel_loop3A_204 : i32 to index
        %parallel_loop3A_221 = arith.constant 32 : index
        %parallel_loop3A_222 = tpu.vector_load %arg8[%parallel_loop3A_220, %parallel_loop3A_221] {strides = array<i32>} : memref<128x65xf32, #tpu.memory_space<vmem>>, vector<16xf32>,
        tpu.vector_store %arg8[%parallel_loop3A_220, %parallel_loop3A_221], %parallel_loop3A_219 {strides = array<i32>} : memref<128x65xf32, #tpu.memory_space<vmem>>, vector<16xf32>,
        %parallel_loop3A_223 = arith.index_cast %parallel_loop3A_204 : i32 to index
        %parallel_loop3A_224 = arith.constant 48 : index
        %parallel_loop3A_225 = tpu.vector_load %arg6[%parallel_loop3A_223, %parallel_loop3A_224] {strides = array<i32>} : memref<128x64xf32, #tpu.memory_space<vmem>>, vector<16xf32>,
        %parallel_loop3A_226 = arith.index_cast %parallel_loop3A_204 : i32 to index
        %parallel_loop3A_227 = arith.constant 48 : index
        %parallel_loop3A_228 = tpu.vector_load %arg8[%parallel_loop3A_226, %parallel_loop3A_227] {strides = array<i32>} : memref<128x65xf32, #tpu.memory_space<vmem>>, vector<16xf32>,
        tpu.vector_store %arg8[%parallel_loop3A_226, %parallel_loop3A_227], %parallel_loop3A_225 {strides = array<i32>} : memref<128x65xf32, #tpu.memory_space<vmem>>, vector<16xf32>,
        %parallel_loop3A_229 = arith.constant 4 : i32
        %parallel_loop3A_230 = arith.muli %parallel_loop3A_172, %parallel_loop3A_229 : i32
        %parallel_loop3A_231 = arith.constant 2 : i32
        %parallel_loop3A_232 = arith.addi %parallel_loop3A_230, %parallel_loop3A_231 : i32
        %parallel_loop3A_233 = arith.index_cast %parallel_loop3A_232 : i32 to index
        %parallel_loop3A_234 = arith.constant 0 : index
        %parallel_loop3A_235 = tpu.vector_load %arg6[%parallel_loop3A_233, %parallel_loop3A_234] {strides = array<i32>} : memref<128x64xf32, #tpu.memory_space<vmem>>, vector<16xf32>,
        %parallel_loop3A_236 = arith.index_cast %parallel_loop3A_232 : i32 to index
        %parallel_loop3A_237 = arith.constant 0 : index
        %parallel_loop3A_238 = tpu.vector_load %arg8[%parallel_loop3A_236, %parallel_loop3A_237] {strides = array<i32>} : memref<128x65xf32, #tpu.memory_space<vmem>>, vector<16xf32>,
        tpu.vector_store %arg8[%parallel_loop3A_236, %parallel_loop3A_237], %parallel_loop3A_235 {strides = array<i32>} : memref<128x65xf32, #tpu.memory_space<vmem>>, vector<16xf32>,
        %parallel_loop3A_239 = arith.index_cast %parallel_loop3A_232 : i32 to index
        %parallel_loop3A_240 = arith.constant 16 : index
        %parallel_loop3A_241 = tpu.vector_load %arg6[%parallel_loop3A_239, %parallel_loop3A_240] {strides = array<i32>} : memref<128x64xf32, #tpu.memory_space<vmem>>, vector<16xf32>,
        %parallel_loop3A_242 = arith.index_cast %parallel_loop3A_232 : i32 to index
        %parallel_loop3A_243 = arith.constant 16 : index
        %parallel_loop3A_244 = tpu.vector_load %arg8[%parallel_loop3A_242, %parallel_loop3A_243] {strides = array<i32>} : memref<128x65xf32, #tpu.memory_space<vmem>>, vector<16xf32>,
        tpu.vector_store %arg8[%parallel_loop3A_242, %parallel_loop3A_243], %parallel_loop3A_241 {strides = array<i32>} : memref<128x65xf32, #tpu.memory_space<vmem>>, vector<16xf32>,
        %parallel_loop3A_245 = arith.index_cast %parallel_loop3A_232 : i32 to index
        %parallel_loop3A_246 = arith.constant 32 : index
        %parallel_loop3A_247 = tpu.vector_load %arg6[%parallel_loop3A_245, %parallel_loop3A_246] {strides = array<i32>} : memref<128x64xf32, #tpu.memory_space<vmem>>, vector<16xf32>,
        %parallel_loop3A_248 = arith.index_cast %parallel_loop3A_232 : i32 to index
        %parallel_loop3A_249 = arith.constant 32 : index
        %parallel_loop3A_250 = tpu.vector_load %arg8[%parallel_loop3A_248, %parallel_loop3A_249] {strides = array<i32>} : memref<128x65xf32, #tpu.memory_space<vmem>>, vector<16xf32>,
        tpu.vector_store %arg8[%parallel_loop3A_248, %parallel_loop3A_249], %parallel_loop3A_247 {strides = array<i32>} : memref<128x65xf32, #tpu.memory_space<vmem>>, vector<16xf32>,
        %parallel_loop3A_251 = arith.index_cast %parallel_loop3A_232 : i32 to index
        %parallel_loop3A_252 = arith.constant 48 : index
        %parallel_loop3A_253 = tpu.vector_load %arg6[%parallel_loop3A_251, %parallel_loop3A_252] {strides = array<i32>} : memref<128x64xf32, #tpu.memory_space<vmem>>, vector<16xf32>,
        %parallel_loop3A_254 = arith.index_cast %parallel_loop3A_232 : i32 to index
        %parallel_loop3A_255 = arith.constant 48 : index
        %parallel_loop3A_256 = tpu.vector_load %arg8[%parallel_loop3A_254, %parallel_loop3A_255] {strides = array<i32>} : memref<128x65xf32, #tpu.memory_space<vmem>>, vector<16xf32>,
        tpu.vector_store %arg8[%parallel_loop3A_254, %parallel_loop3A_255], %parallel_loop3A_253 {strides = array<i32>} : memref<128x65xf32, #tpu.memory_space<vmem>>, vector<16xf32>,
        %parallel_loop3A_257 = arith.constant 4 : i32
        %parallel_loop3A_258 = arith.muli %parallel_loop3A_172, %parallel_loop3A_257 : i32
        %parallel_loop3A_259 = arith.constant 3 : i32
        %parallel_loop3A_260 = arith.addi %parallel_loop3A_258, %parallel_loop3A_259 : i32
        %parallel_loop3A_261 = arith.index_cast %parallel_loop3A_260 : i32 to index
        %parallel_loop3A_262 = arith.constant 0 : index
        %parallel_loop3A_263 = tpu.vector_load %arg6[%parallel_loop3A_261, %parallel_loop3A_262] {strides = array<i32>} : memref<128x64xf32, #tpu.memory_space<vmem>>, vector<16xf32>,
        %parallel_loop3A_264 = arith.index_cast %parallel_loop3A_260 : i32 to index
        %parallel_loop3A_265 = arith.constant 0 : index
        %parallel_loop3A_266 = tpu.vector_load %arg8[%parallel_loop3A_264, %parallel_loop3A_265] {strides = array<i32>} : memref<128x65xf32, #tpu.memory_space<vmem>>, vector<16xf32>,
        tpu.vector_store %arg8[%parallel_loop3A_264, %parallel_loop3A_265], %parallel_loop3A_263 {strides = array<i32>} : memref<128x65xf32, #tpu.memory_space<vmem>>, vector<16xf32>,
        %parallel_loop3A_267 = arith.index_cast %parallel_loop3A_260 : i32 to index
        %parallel_loop3A_268 = arith.constant 16 : index
        %parallel_loop3A_269 = tpu.vector_load %arg6[%parallel_loop3A_267, %parallel_loop3A_268] {strides = array<i32>} : memref<128x64xf32, #tpu.memory_space<vmem>>, vector<16xf32>,
        %parallel_loop3A_270 = arith.index_cast %parallel_loop3A_260 : i32 to index
        %parallel_loop3A_271 = arith.constant 16 : index
        %parallel_loop3A_272 = tpu.vector_load %arg8[%parallel_loop3A_270, %parallel_loop3A_271] {strides = array<i32>} : memref<128x65xf32, #tpu.memory_space<vmem>>, vector<16xf32>,
        tpu.vector_store %arg8[%parallel_loop3A_270, %parallel_loop3A_271], %parallel_loop3A_269 {strides = array<i32>} : memref<128x65xf32, #tpu.memory_space<vmem>>, vector<16xf32>,
        %parallel_loop3A_273 = arith.index_cast %parallel_loop3A_260 : i32 to index
        %parallel_loop3A_274 = arith.constant 32 : index
        %parallel_loop3A_275 = tpu.vector_load %arg6[%parallel_loop3A_273, %parallel_loop3A_274] {strides = array<i32>} : memref<128x64xf32, #tpu.memory_space<vmem>>, vector<16xf32>,
        %parallel_loop3A_276 = arith.index_cast %parallel_loop3A_260 : i32 to index
        %parallel_loop3A_277 = arith.constant 32 : index
        %parallel_loop3A_278 = tpu.vector_load %arg8[%parallel_loop3A_276, %parallel_loop3A_277] {strides = array<i32>} : memref<128x65xf32, #tpu.memory_space<vmem>>, vector<16xf32>,
        tpu.vector_store %arg8[%parallel_loop3A_276, %parallel_loop3A_277], %parallel_loop3A_275 {strides = array<i32>} : memref<128x65xf32, #tpu.memory_space<vmem>>, vector<16xf32>,
        %parallel_loop3A_279 = arith.index_cast %parallel_loop3A_260 : i32 to index
        %parallel_loop3A_280 = arith.constant 48 : index
        %parallel_loop3A_281 = tpu.vector_load %arg6[%parallel_loop3A_279, %parallel_loop3A_280] {strides = array<i32>} : memref<128x64xf32, #tpu.memory_space<vmem>>, vector<16xf32>,
        %parallel_loop3A_282 = arith.index_cast %parallel_loop3A_260 : i32 to index
        %parallel_loop3A_283 = arith.constant 48 : index
        %parallel_loop3A_284 = tpu.vector_load %arg8[%parallel_loop3A_282, %parallel_loop3A_283] {strides = array<i32>} : memref<128x65xf32, #tpu.memory_space<vmem>>, vector<16xf32>,
        tpu.vector_store %arg8[%parallel_loop3A_282, %parallel_loop3A_283], %parallel_loop3A_281 {strides = array<i32>} : memref<128x65xf32, #tpu.memory_space<vmem>>, vector<16xf32>,
      } {sc.loop_unroll_factor = 4 : i64, sc.parallel_access}
      %parallel_loop3A_80 = arith.constant 0 : i32
      %parallel_loop3A_81 = arith.constant 64 : i32
      %parallel_loop3A_82 = arith.constant 1 : i32
      scf.for %parallel_loop3A_172 = %parallel_loop3A_80 to %parallel_loop3A_81 step %parallel_loop3A_82  : i32 {
        %parallel_loop3A_173 = vector.broadcast %parallel_loop3A_172 : i32 to vector<16xi32>
        %parallel_loop3A_174 = arith.constant 8 : i32
        %parallel_loop3A_175 = arith.divsi %parallel_loop3A_172, %parallel_loop3A_174 : i32
        %parallel_loop3A_176 = arith.constant 0 : i32
        %parallel_loop3A_177 = arith.cmpi sgt, %parallel_loop3A_172, %parallel_loop3A_176 : i32
        %parallel_loop3A_178 = arith.extui %parallel_loop3A_177 : i1 to i32
        %parallel_loop3A_179 = arith.constant 0 : i32
        %parallel_loop3A_180 = arith.cmpi slt, %parallel_loop3A_172, %parallel_loop3A_179 : i32
        %parallel_loop3A_181 = arith.extui %parallel_loop3A_180 : i1 to i32
        %parallel_loop3A_182 = arith.subi %parallel_loop3A_178, %parallel_loop3A_181 : i32
        %parallel_loop3A_183 = arith.constant 0 : i32
        %parallel_loop3A_184 = arith.cmpi sgt, %parallel_loop3A_174, %parallel_loop3A_183 : i32
        %parallel_loop3A_185 = arith.extui %parallel_loop3A_184 : i1 to i32
        %parallel_loop3A_186 = arith.constant 0 : i32
        %parallel_loop3A_187 = arith.cmpi slt, %parallel_loop3A_174, %parallel_loop3A_186 : i32
        %parallel_loop3A_188 = arith.extui %parallel_loop3A_187 : i1 to i32
        %parallel_loop3A_189 = arith.subi %parallel_loop3A_185, %parallel_loop3A_188 : i32
        %parallel_loop3A_190 = arith.cmpi ne, %parallel_loop3A_182, %parallel_loop3A_189 : i32
        %parallel_loop3A_191 = arith.remsi %parallel_loop3A_172, %parallel_loop3A_174 : i32
        %parallel_loop3A_192 = arith.constant 0 : i32
        %parallel_loop3A_193 = arith.cmpi ne, %parallel_loop3A_191, %parallel_loop3A_192 : i32
        %parallel_loop3A_194 = arith.andi %parallel_loop3A_190, %parallel_loop3A_193 : i1
        %parallel_loop3A_195 = arith.constant 1 : i32
        %parallel_loop3A_196 = arith.subi %parallel_loop3A_175, %parallel_loop3A_195 : i32
        %parallel_loop3A_197 = arith.select %parallel_loop3A_194, %parallel_loop3A_196, %parallel_loop3A_175 : i32
        %parallel_loop3A_198 = arith.constant 8 : i32
        %parallel_loop3A_199 = arith.constant 0 : i32
        %parallel_loop3A_200 = arith.cmpi eq, %parallel_loop3A_198, %parallel_loop3A_199 : i32
        %parallel_loop3A_201 = arith.constant 1 : i32
        %parallel_loop3A_202 = arith.select %parallel_loop3A_200, %parallel_loop3A_201, %parallel_loop3A_198 : i32
        %parallel_loop3A_203 = arith.remsi %parallel_loop3A_172, %parallel_loop3A_202 : i32
        %parallel_loop3A_204 = arith.constant 0 : i32
        %parallel_loop3A_205 = arith.cmpi ne, %parallel_loop3A_203, %parallel_loop3A_204 : i32
        %parallel_loop3A_206 = arith.constant 0 : i32
        %parallel_loop3A_207 = arith.cmpi slt, %parallel_loop3A_203, %parallel_loop3A_206 : i32
        %parallel_loop3A_208 = arith.constant 0 : i32
        %parallel_loop3A_209 = arith.cmpi slt, %parallel_loop3A_202, %parallel_loop3A_208 : i32
        %parallel_loop3A_210 = arith.xori %parallel_loop3A_207, %parallel_loop3A_209 : i1
        %parallel_loop3A_211 = arith.andi %parallel_loop3A_210, %parallel_loop3A_205 : i1
        %parallel_loop3A_212 = arith.addi %parallel_loop3A_203, %parallel_loop3A_202 : i32
        %parallel_loop3A_213 = arith.select %parallel_loop3A_211, %parallel_loop3A_212, %parallel_loop3A_203 : i32
        %parallel_loop3A_214 = arith.constant 128 : i32
        %parallel_loop3A_215 = arith.muli %parallel_loop3A_213, %parallel_loop3A_214 : i32
        %parallel_loop3A_216 = tpu.vector_load_idx %arg8[%add3A_5, %parallel_loop3A_173] : memref<128x65xf32, #tpu.memory_space<vmem>>[vector<16xi32>, vector<16xi32>], vector<16xf32>,
        %parallel_loop3A_217 = arith.constant 0 : i32
        %parallel_loop3A_218 = arith.addi %parallel_loop3A_215, %parallel_loop3A_217 : i32
        %parallel_loop3A_219 = arith.index_cast %parallel_loop3A_197 : i32 to index
        %parallel_loop3A_220 = arith.index_cast %parallel_loop3A_218 : i32 to index
        %parallel_loop3A_221 = tpu.vector_load %arg9[%parallel_loop3A_219, %parallel_loop3A_220] {strides = array<i32>} : memref<8x1024xf32, #tpu.memory_space<vmem>>, vector<16xf32>,
        tpu.vector_store %arg9[%parallel_loop3A_219, %parallel_loop3A_220], %parallel_loop3A_216 {strides = array<i32>} : memref<8x1024xf32, #tpu.memory_space<vmem>>, vector<16xf32>,
        %parallel_loop3A_222 = tpu.vector_load_idx %arg8[%add3A_8, %parallel_loop3A_173] : memref<128x65xf32, #tpu.memory_space<vmem>>[vector<16xi32>, vector<16xi32>], vector<16xf32>,
        %parallel_loop3A_223 = arith.constant 16 : i32
        %parallel_loop3A_224 = arith.addi %parallel_loop3A_215, %parallel_loop3A_223 : i32
        %parallel_loop3A_225 = arith.index_cast %parallel_loop3A_197 : i32 to index
        %parallel_loop3A_226 = arith.index_cast %parallel_loop3A_224 : i32 to index
        %parallel_loop3A_227 = tpu.vector_load %arg9[%parallel_loop3A_225, %parallel_loop3A_226] {strides = array<i32>} : memref<8x1024xf32, #tpu.memory_space<vmem>>, vector<16xf32>,
        tpu.vector_store %arg9[%parallel_loop3A_225, %parallel_loop3A_226], %parallel_loop3A_222 {strides = array<i32>} : memref<8x1024xf32, #tpu.memory_space<vmem>>, vector<16xf32>,
        %parallel_loop3A_228 = tpu.vector_load_idx %arg8[%add3A_11, %parallel_loop3A_173] : memref<128x65xf32, #tpu.memory_space<vmem>>[vector<16xi32>, vector<16xi32>], vector<16xf32>,
        %parallel_loop3A_229 = arith.constant 32 : i32
        %parallel_loop3A_230 = arith.addi %parallel_loop3A_215, %parallel_loop3A_229 : i32
        %parallel_loop3A_231 = arith.index_cast %parallel_loop3A_197 : i32 to index
        %parallel_loop3A_232 = arith.index_cast %parallel_loop3A_230 : i32 to index
        %parallel_loop3A_233 = tpu.vector_load %arg9[%parallel_loop3A_231, %parallel_loop3A_232] {strides = array<i32>} : memref<8x1024xf32, #tpu.memory_space<vmem>>, vector<16xf32>,
        tpu.vector_store %arg9[%parallel_loop3A_231, %parallel_loop3A_232], %parallel_loop3A_228 {strides = array<i32>} : memref<8x1024xf32, #tpu.memory_space<vmem>>, vector<16xf32>,
        %parallel_loop3A_234 = tpu.vector_load_idx %arg8[%add3A_14, %parallel_loop3A_173] : memref<128x65xf32, #tpu.memory_space<vmem>>[vector<16xi32>, vector<16xi32>], vector<16xf32>,
        %parallel_loop3A_235 = arith.constant 48 : i32
        %parallel_loop3A_236 = arith.addi %parallel_loop3A_215, %parallel_loop3A_235 : i32
        %parallel_loop3A_237 = arith.index_cast %parallel_loop3A_197 : i32 to index
        %parallel_loop3A_238 = arith.index_cast %parallel_loop3A_236 : i32 to index
        %parallel_loop3A_239 = tpu.vector_load %arg9[%parallel_loop3A_237, %parallel_loop3A_238] {strides = array<i32>} : memref<8x1024xf32, #tpu.memory_space<vmem>>, vector<16xf32>,
        tpu.vector_store %arg9[%parallel_loop3A_237, %parallel_loop3A_238], %parallel_loop3A_234 {strides = array<i32>} : memref<8x1024xf32, #tpu.memory_space<vmem>>, vector<16xf32>,
        %parallel_loop3A_240 = tpu.vector_load_idx %arg8[%add3A_17, %parallel_loop3A_173] : memref<128x65xf32, #tpu.memory_space<vmem>>[vector<16xi32>, vector<16xi32>], vector<16xf32>,
        %parallel_loop3A_241 = arith.constant 64 : i32
        %parallel_loop3A_242 = arith.addi %parallel_loop3A_215, %parallel_loop3A_241 : i32
        %parallel_loop3A_243 = arith.index_cast %parallel_loop3A_197 : i32 to index
        %parallel_loop3A_244 = arith.index_cast %parallel_loop3A_242 : i32 to index
        %parallel_loop3A_245 = tpu.vector_load %arg9[%parallel_loop3A_243, %parallel_loop3A_244] {strides = array<i32>} : memref<8x1024xf32, #tpu.memory_space<vmem>>, vector<16xf32>,
        tpu.vector_store %arg9[%parallel_loop3A_243, %parallel_loop3A_244], %parallel_loop3A_240 {strides = array<i32>} : memref<8x1024xf32, #tpu.memory_space<vmem>>, vector<16xf32>,
        %parallel_loop3A_246 = tpu.vector_load_idx %arg8[%add3A_20, %parallel_loop3A_173] : memref<128x65xf32, #tpu.memory_space<vmem>>[vector<16xi32>, vector<16xi32>], vector<16xf32>,
        %parallel_loop3A_247 = arith.constant 80 : i32
        %parallel_loop3A_248 = arith.addi %parallel_loop3A_215, %parallel_loop3A_247 : i32
        %parallel_loop3A_249 = arith.index_cast %parallel_loop3A_197 : i32 to index
        %parallel_loop3A_250 = arith.index_cast %parallel_loop3A_248 : i32 to index
        %parallel_loop3A_251 = tpu.vector_load %arg9[%parallel_loop3A_249, %parallel_loop3A_250] {strides = array<i32>} : memref<8x1024xf32, #tpu.memory_space<vmem>>, vector<16xf32>,
        tpu.vector_store %arg9[%parallel_loop3A_249, %parallel_loop3A_250], %parallel_loop3A_246 {strides = array<i32>} : memref<8x1024xf32, #tpu.memory_space<vmem>>, vector<16xf32>,
        %parallel_loop3A_252 = tpu.vector_load_idx %arg8[%add3A_23, %parallel_loop3A_173] : memref<128x65xf32, #tpu.memory_space<vmem>>[vector<16xi32>, vector<16xi32>], vector<16xf32>,
        %parallel_loop3A_253 = arith.constant 96 : i32
        %parallel_loop3A_254 = arith.addi %parallel_loop3A_215, %parallel_loop3A_253 : i32
        %parallel_loop3A_255 = arith.index_cast %parallel_loop3A_197 : i32 to index
        %parallel_loop3A_256 = arith.index_cast %parallel_loop3A_254 : i32 to index
        %parallel_loop3A_257 = tpu.vector_load %arg9[%parallel_loop3A_255, %parallel_loop3A_256] {strides = array<i32>} : memref<8x1024xf32, #tpu.memory_space<vmem>>, vector<16xf32>,
        tpu.vector_store %arg9[%parallel_loop3A_255, %parallel_loop3A_256], %parallel_loop3A_252 {strides = array<i32>} : memref<8x1024xf32, #tpu.memory_space<vmem>>, vector<16xf32>,
        %parallel_loop3A_258 = tpu.vector_load_idx %arg8[%add3A_26, %parallel_loop3A_173] : memref<128x65xf32, #tpu.memory_space<vmem>>[vector<16xi32>, vector<16xi32>], vector<16xf32>,
        %parallel_loop3A_259 = arith.constant 112 : i32
        %parallel_loop3A_260 = arith.addi %parallel_loop3A_215, %parallel_loop3A_259 : i32
        %parallel_loop3A_261 = arith.index_cast %parallel_loop3A_197 : i32 to index
        %parallel_loop3A_262 = arith.index_cast %parallel_loop3A_260 : i32 to index
        %parallel_loop3A_263 = tpu.vector_load %arg9[%parallel_loop3A_261, %parallel_loop3A_262] {strides = array<i32>} : memref<8x1024xf32, #tpu.memory_space<vmem>>, vector<16xf32>,
        tpu.vector_store %arg9[%parallel_loop3A_261, %parallel_loop3A_262], %parallel_loop3A_258 {strides = array<i32>} : memref<8x1024xf32, #tpu.memory_space<vmem>>, vector<16xf32>,
      } {sc.loop_unroll_factor = 4 : i64, sc.parallel_access}
      %add3A_83 = arith.addi %mul3A_2, %add3A_61 : i32
      %jit3A = arith.constant 128 : i32
      %div3A = arith.divsi %add3A_83, %jit3A : i32
      %sign3A = arith.constant 0 : i32
      %sign3A_84 = arith.cmpi sgt, %add3A_83, %sign3A : i32
      %sign3A_85 = arith.extui %sign3A_84 : i1 to i32
      %sign3A_86 = arith.constant 0 : i32
      %sign3A_87 = arith.cmpi slt, %add3A_83, %sign3A_86 : i32
      %sign3A_88 = arith.extui %sign3A_87 : i1 to i32
      %sign3A_89 = arith.subi %sign3A_85, %sign3A_88 : i32
      %sign3A_90 = arith.constant 0 : i32
      %sign3A_91 = arith.cmpi sgt, %jit3A, %sign3A_90 : i32
      %sign3A_92 = arith.extui %sign3A_91 : i1 to i32
      %sign3A_93 = arith.constant 0 : i32
      %sign3A_94 = arith.cmpi slt, %jit3A, %sign3A_93 : i32
      %sign3A_95 = arith.extui %sign3A_94 : i1 to i32
      %sign3A_96 = arith.subi %sign3A_92, %sign3A_95 : i32
      %ne3A = arith.cmpi ne, %sign3A_89, %sign3A_96 : i32
      %rem3A = arith.remsi %add3A_83, %jit3A : i32
      %ne3A_97 = arith.constant 0 : i32
      %ne3A_98 = arith.cmpi ne, %rem3A, %ne3A_97 : i32
      %and3A = arith.andi %ne3A, %ne3A_98 : i1
      %sub3A = arith.constant 1 : i32
      %sub3A_99 = arith.subi %div3A, %sub3A : i32
      %select_n3A = arith.select %and3A, %sub3A_99, %div3A : i32
      %mul3A_100 = arith.constant 128 : i32
      %mul3A_101 = arith.muli %select_n3A, %mul3A_100 : i32
      %sub3A_102 = arith.subi %add3A_83, %mul3A_101 : i32
      %dma_start3A_103 = arith.constant 0 : i32
      %dma_start3A_104 = arith.constant 0 : i32
      %dma_start3A_105 = tpu.memref_slice %arg4[%select_n3A, %dma_start3A_103, %sub3A_102, %dma_start3A_104] : memref<50x8x128x1024xf32, #tpu.memory_space<hbm>> -> memref<1x8x1x1024xf32, #tpu.memory_space<hbm>>
      %dma_start3A_106 = tpu.memref_squeeze %dma_start3A_105 : memref<1x8x1x1024xf32, #tpu.memory_space<hbm>> -> memref<8x1024xf32, #tpu.memory_space<hbm>>
      %dma_start3A_107 = arith.constant 0 : i32
      %dma_start3A_108 = arith.constant 0 : i32
      %dma_start3A_109 = tpu.memref_slice %arg4[%select_n3A, %dma_start3A_107, %sub3A_102, %dma_start3A_108] : memref<50x8x128x1024xf32, #tpu.memory_space<hbm>> -> memref<1x8x1x1024xf32, #tpu.memory_space<hbm>>
      %dma_start3A_110 = tpu.memref_squeeze %dma_start3A_109 : memref<1x8x1x1024xf32, #tpu.memory_space<hbm>> -> memref<8x1024xf32, #tpu.memory_space<hbm>>
      tpu.enqueue_dma source(%arg9 : memref<8x1024xf32, #tpu.memory_space<vmem>>) target(%dma_start3A_110 : memref<8x1024xf32, #tpu.memory_space<hbm>>) target_semaphore(%arg13 : memref<!tpu.dma_semaphore, #tpu.memory_space<semaphore_mem>>)
      %mul3A_111 = arith.constant 2 : i32
      %mul3A_112 = arith.muli %scan3A_57, %mul3A_111 : i32
      %add3A_113 = arith.constant 1 : i32
      %add3A_114 = arith.addi %mul3A_112, %add3A_113 : i32
      %lt3A = arith.constant 99 : i32
      %lt3A_115 = arith.cmpi slt, %scan3A_57, %lt3A : i32
      %convert_element_type3A_116 = arith.extui %lt3A_115 : i1 to i32
      %cond3A_117 = arith.constant 0 : i32
      %cond3A_118 = arith.cmpi ne, %convert_element_type3A_116, %cond3A_117 : i32
      scf.if %cond3A_118 {
        %add3A_172 = arith.constant 1 : i32
        %add3A_173 = arith.addi %add3A_114, %add3A_172 : i32
        %dma_start3A_174 = arith.constant 0 : i32
        %dma_start3A_175 = tpu.memref_slice %arg5[%add3A_173, %dma_start3A_174] : memref<200x128xi32, #tpu.memory_space<vmem>> -> memref<1x128xi32, #tpu.memory_space<vmem>>
        %dma_start3A_176 = tpu.memref_squeeze %dma_start3A_175 : memref<1x128xi32, #tpu.memory_space<vmem>> -> memref<128xi32, #tpu.memory_space<vmem>>
        %dma_start3A_177 = arith.constant 0 : i32
        %dma_start3A_178 = arith.constant 0 : i32
        %dma_start3A_179 = tpu.memref_slice %arg3[%dma_start3A_177, %dma_start3A_178] : memref<1000000x64xf32, #tpu.memory_space<hbm>> -> memref<1000000x64xf32, #tpu.memory_space<hbm>>
        tpu.enqueue_indirect_dma source(%dma_start3A_179 : memref<1000000x64xf32, #tpu.memory_space<hbm>>) target(%arg6 : memref<128x64xf32, #tpu.memory_space<vmem>>) offsets(%dma_start3A_176 : memref<128xi32, #tpu.memory_space<vmem>>) semaphore(%arg11 : memref<!tpu.dma_semaphore, #tpu.memory_space<semaphore_mem>>)
      } else {
      }
      %dma_wait3A_119 = arith.constant 0 : i32
      %dma_wait3A_120 = tpu.memref_slice %arg5[%add3A_114, %dma_wait3A_119] : memref<200x128xi32, #tpu.memory_space<vmem>> -> memref<1x128xi32, #tpu.memory_space<vmem>>
      %dma_wait3A_121 = tpu.memref_squeeze %dma_wait3A_120 : memref<1x128xi32, #tpu.memory_space<vmem>> -> memref<128xi32, #tpu.memory_space<vmem>>
      %dma_wait3A_122 = arith.constant 0 : i32
      %dma_wait3A_123 = arith.constant 0 : i32
      %dma_wait3A_124 = tpu.memref_slice %arg3[%dma_wait3A_122, %dma_wait3A_123] : memref<1000000x64xf32, #tpu.memory_space<hbm>> -> memref<1000000x64xf32, #tpu.memory_space<hbm>>
      tpu.wait_indirect_dma semaphore(%arg12 : memref<!tpu.dma_semaphore, #tpu.memory_space<semaphore_mem>>) src(%dma_wait3A_124 : memref<1000000x64xf32, #tpu.memory_space<hbm>>) dst(%arg7 : memref<128x64xf32, #tpu.memory_space<vmem>>)
      %ge3A_125 = arith.constant 1 : i32
      %ge3A_126 = arith.cmpi sge, %scan3A_57, %ge3A_125 : i32
      %convert_element_type3A_127 = arith.extui %ge3A_126 : i1 to i32
      %cond3A_128 = arith.constant 0 : i32
      %cond3A_129 = arith.cmpi ne, %convert_element_type3A_127, %cond3A_128 : i32
      scf.if %cond3A_129 {
        %dma_wait3A_172 = arith.constant 0 : i32
        %dma_wait3A_173 = arith.constant 0 : i32
        %dma_wait3A_174 = arith.constant 0 : i32
        %dma_wait3A_175 = arith.constant 0 : i32
        %dma_wait3A_176 = tpu.memref_slice %arg4[%dma_wait3A_172, %dma_wait3A_174, %dma_wait3A_173, %dma_wait3A_175] : memref<50x8x128x1024xf32, #tpu.memory_space<hbm>> -> memref<1x8x1x1024xf32, #tpu.memory_space<hbm>>
        %dma_wait3A_177 = tpu.memref_squeeze %dma_wait3A_176 : memref<1x8x1x1024xf32, #tpu.memory_space<hbm>> -> memref<8x1024xf32, #tpu.memory_space<hbm>>
        %dma_wait3A_178 = arith.constant 0 : i32
        %dma_wait3A_179 = arith.constant 0 : i32
        %dma_wait3A_180 = tpu.memref_slice %arg4[%dma_wait3A_172, %dma_wait3A_178, %dma_wait3A_173, %dma_wait3A_179] : memref<50x8x128x1024xf32, #tpu.memory_space<hbm>> -> memref<1x8x1x1024xf32, #tpu.memory_space<hbm>>
        %dma_wait3A_181 = tpu.memref_squeeze %dma_wait3A_180 : memref<1x8x1x1024xf32, #tpu.memory_space<hbm>> -> memref<8x1024xf32, #tpu.memory_space<hbm>>
        tpu.wait_dma2 semaphore(%arg14 : memref<!tpu.dma_semaphore, #tpu.memory_space<semaphore_mem>>) src(%arg10 : memref<8x1024xf32, #tpu.memory_space<vmem>>) dst(%dma_wait3A_181 : memref<8x1024xf32, #tpu.memory_space<hbm>>)
      } else {
      }
      %parallel_loop3A_130 = arith.constant 0 : i32
      %parallel_loop3A_131 = arith.constant 32 : i32
      %parallel_loop3A_132 = arith.constant 1 : i32
      scf.for %parallel_loop3A_172 = %parallel_loop3A_130 to %parallel_loop3A_131 step %parallel_loop3A_132  : i32 {
        %parallel_loop3A_173 = arith.constant 4 : i32
        %parallel_loop3A_174 = arith.muli %parallel_loop3A_172, %parallel_loop3A_173 : i32
        %parallel_loop3A_175 = arith.constant 0 : i32
        %parallel_loop3A_176 = arith.addi %parallel_loop3A_174, %parallel_loop3A_175 : i32
        %parallel_loop3A_177 = arith.index_cast %parallel_loop3A_176 : i32 to index
        %parallel_loop3A_178 = arith.constant 0 : index
        %parallel_loop3A_179 = tpu.vector_load %arg7[%parallel_loop3A_177, %parallel_loop3A_178] {strides = array<i32>} : memref<128x64xf32, #tpu.memory_space<vmem>>, vector<16xf32>,
        %parallel_loop3A_180 = arith.index_cast %parallel_loop3A_176 : i32 to index
        %parallel_loop3A_181 = arith.constant 0 : index
        %parallel_loop3A_182 = tpu.vector_load %arg8[%parallel_loop3A_180, %parallel_loop3A_181] {strides = array<i32>} : memref<128x65xf32, #tpu.memory_space<vmem>>, vector<16xf32>,
        tpu.vector_store %arg8[%parallel_loop3A_180, %parallel_loop3A_181], %parallel_loop3A_179 {strides = array<i32>} : memref<128x65xf32, #tpu.memory_space<vmem>>, vector<16xf32>,
        %parallel_loop3A_183 = arith.index_cast %parallel_loop3A_176 : i32 to index
        %parallel_loop3A_184 = arith.constant 16 : index
        %parallel_loop3A_185 = tpu.vector_load %arg7[%parallel_loop3A_183, %parallel_loop3A_184] {strides = array<i32>} : memref<128x64xf32, #tpu.memory_space<vmem>>, vector<16xf32>,
        %parallel_loop3A_186 = arith.index_cast %parallel_loop3A_176 : i32 to index
        %parallel_loop3A_187 = arith.constant 16 : index
        %parallel_loop3A_188 = tpu.vector_load %arg8[%parallel_loop3A_186, %parallel_loop3A_187] {strides = array<i32>} : memref<128x65xf32, #tpu.memory_space<vmem>>, vector<16xf32>,
        tpu.vector_store %arg8[%parallel_loop3A_186, %parallel_loop3A_187], %parallel_loop3A_185 {strides = array<i32>} : memref<128x65xf32, #tpu.memory_space<vmem>>, vector<16xf32>,
        %parallel_loop3A_189 = arith.index_cast %parallel_loop3A_176 : i32 to index
        %parallel_loop3A_190 = arith.constant 32 : index
        %parallel_loop3A_191 = tpu.vector_load %arg7[%parallel_loop3A_189, %parallel_loop3A_190] {strides = array<i32>} : memref<128x64xf32, #tpu.memory_space<vmem>>, vector<16xf32>,
        %parallel_loop3A_192 = arith.index_cast %parallel_loop3A_176 : i32 to index
        %parallel_loop3A_193 = arith.constant 32 : index
        %parallel_loop3A_194 = tpu.vector_load %arg8[%parallel_loop3A_192, %parallel_loop3A_193] {strides = array<i32>} : memref<128x65xf32, #tpu.memory_space<vmem>>, vector<16xf32>,
        tpu.vector_store %arg8[%parallel_loop3A_192, %parallel_loop3A_193], %parallel_loop3A_191 {strides = array<i32>} : memref<128x65xf32, #tpu.memory_space<vmem>>, vector<16xf32>,
        %parallel_loop3A_195 = arith.index_cast %parallel_loop3A_176 : i32 to index
        %parallel_loop3A_196 = arith.constant 48 : index
        %parallel_loop3A_197 = tpu.vector_load %arg7[%parallel_loop3A_195, %parallel_loop3A_196] {strides = array<i32>} : memref<128x64xf32, #tpu.memory_space<vmem>>, vector<16xf32>,
        %parallel_loop3A_198 = arith.index_cast %parallel_loop3A_176 : i32 to index
        %parallel_loop3A_199 = arith.constant 48 : index
        %parallel_loop3A_200 = tpu.vector_load %arg8[%parallel_loop3A_198, %parallel_loop3A_199] {strides = array<i32>} : memref<128x65xf32, #tpu.memory_space<vmem>>, vector<16xf32>,
        tpu.vector_store %arg8[%parallel_loop3A_198, %parallel_loop3A_199], %parallel_loop3A_197 {strides = array<i32>} : memref<128x65xf32, #tpu.memory_space<vmem>>, vector<16xf32>,
        %parallel_loop3A_201 = arith.constant 4 : i32
        %parallel_loop3A_202 = arith.muli %parallel_loop3A_172, %parallel_loop3A_201 : i32
        %parallel_loop3A_203 = arith.constant 1 : i32
        %parallel_loop3A_204 = arith.addi %parallel_loop3A_202, %parallel_loop3A_203 : i32
        %parallel_loop3A_205 = arith.index_cast %parallel_loop3A_204 : i32 to index
        %parallel_loop3A_206 = arith.constant 0 : index
        %parallel_loop3A_207 = tpu.vector_load %arg7[%parallel_loop3A_205, %parallel_loop3A_206] {strides = array<i32>} : memref<128x64xf32, #tpu.memory_space<vmem>>, vector<16xf32>,
        %parallel_loop3A_208 = arith.index_cast %parallel_loop3A_204 : i32 to index
        %parallel_loop3A_209 = arith.constant 0 : index
        %parallel_loop3A_210 = tpu.vector_load %arg8[%parallel_loop3A_208, %parallel_loop3A_209] {strides = array<i32>} : memref<128x65xf32, #tpu.memory_space<vmem>>, vector<16xf32>,
        tpu.vector_store %arg8[%parallel_loop3A_208, %parallel_loop3A_209], %parallel_loop3A_207 {strides = array<i32>} : memref<128x65xf32, #tpu.memory_space<vmem>>, vector<16xf32>,
        %parallel_loop3A_211 = arith.index_cast %parallel_loop3A_204 : i32 to index
        %parallel_loop3A_212 = arith.constant 16 : index
        %parallel_loop3A_213 = tpu.vector_load %arg7[%parallel_loop3A_211, %parallel_loop3A_212] {strides = array<i32>} : memref<128x64xf32, #tpu.memory_space<vmem>>, vector<16xf32>,
        %parallel_loop3A_214 = arith.index_cast %parallel_loop3A_204 : i32 to index
        %parallel_loop3A_215 = arith.constant 16 : index
        %parallel_loop3A_216 = tpu.vector_load %arg8[%parallel_loop3A_214, %parallel_loop3A_215] {strides = array<i32>} : memref<128x65xf32, #tpu.memory_space<vmem>>, vector<16xf32>,
        tpu.vector_store %arg8[%parallel_loop3A_214, %parallel_loop3A_215], %parallel_loop3A_213 {strides = array<i32>} : memref<128x65xf32, #tpu.memory_space<vmem>>, vector<16xf32>,
        %parallel_loop3A_217 = arith.index_cast %parallel_loop3A_204 : i32 to index
        %parallel_loop3A_218 = arith.constant 32 : index
        %parallel_loop3A_219 = tpu.vector_load %arg7[%parallel_loop3A_217, %parallel_loop3A_218] {strides = array<i32>} : memref<128x64xf32, #tpu.memory_space<vmem>>, vector<16xf32>,
        %parallel_loop3A_220 = arith.index_cast %parallel_loop3A_204 : i32 to index
        %parallel_loop3A_221 = arith.constant 32 : index
        %parallel_loop3A_222 = tpu.vector_load %arg8[%parallel_loop3A_220, %parallel_loop3A_221] {strides = array<i32>} : memref<128x65xf32, #tpu.memory_space<vmem>>, vector<16xf32>,
        tpu.vector_store %arg8[%parallel_loop3A_220, %parallel_loop3A_221], %parallel_loop3A_219 {strides = array<i32>} : memref<128x65xf32, #tpu.memory_space<vmem>>, vector<16xf32>,
        %parallel_loop3A_223 = arith.index_cast %parallel_loop3A_204 : i32 to index
        %parallel_loop3A_224 = arith.constant 48 : index
        %parallel_loop3A_225 = tpu.vector_load %arg7[%parallel_loop3A_223, %parallel_loop3A_224] {strides = array<i32>} : memref<128x64xf32, #tpu.memory_space<vmem>>, vector<16xf32>,
        %parallel_loop3A_226 = arith.index_cast %parallel_loop3A_204 : i32 to index
        %parallel_loop3A_227 = arith.constant 48 : index
        %parallel_loop3A_228 = tpu.vector_load %arg8[%parallel_loop3A_226, %parallel_loop3A_227] {strides = array<i32>} : memref<128x65xf32, #tpu.memory_space<vmem>>, vector<16xf32>,
        tpu.vector_store %arg8[%parallel_loop3A_226, %parallel_loop3A_227], %parallel_loop3A_225 {strides = array<i32>} : memref<128x65xf32, #tpu.memory_space<vmem>>, vector<16xf32>,
        %parallel_loop3A_229 = arith.constant 4 : i32
        %parallel_loop3A_230 = arith.muli %parallel_loop3A_172, %parallel_loop3A_229 : i32
        %parallel_loop3A_231 = arith.constant 2 : i32
        %parallel_loop3A_232 = arith.addi %parallel_loop3A_230, %parallel_loop3A_231 : i32
        %parallel_loop3A_233 = arith.index_cast %parallel_loop3A_232 : i32 to index
        %parallel_loop3A_234 = arith.constant 0 : index
        %parallel_loop3A_235 = tpu.vector_load %arg7[%parallel_loop3A_233, %parallel_loop3A_234] {strides = array<i32>} : memref<128x64xf32, #tpu.memory_space<vmem>>, vector<16xf32>,
        %parallel_loop3A_236 = arith.index_cast %parallel_loop3A_232 : i32 to index
        %parallel_loop3A_237 = arith.constant 0 : index
        %parallel_loop3A_238 = tpu.vector_load %arg8[%parallel_loop3A_236, %parallel_loop3A_237] {strides = array<i32>} : memref<128x65xf32, #tpu.memory_space<vmem>>, vector<16xf32>,
        tpu.vector_store %arg8[%parallel_loop3A_236, %parallel_loop3A_237], %parallel_loop3A_235 {strides = array<i32>} : memref<128x65xf32, #tpu.memory_space<vmem>>, vector<16xf32>,
        %parallel_loop3A_239 = arith.index_cast %parallel_loop3A_232 : i32 to index
        %parallel_loop3A_240 = arith.constant 16 : index
        %parallel_loop3A_241 = tpu.vector_load %arg7[%parallel_loop3A_239, %parallel_loop3A_240] {strides = array<i32>} : memref<128x64xf32, #tpu.memory_space<vmem>>, vector<16xf32>,
        %parallel_loop3A_242 = arith.index_cast %parallel_loop3A_232 : i32 to index
        %parallel_loop3A_243 = arith.constant 16 : index
        %parallel_loop3A_244 = tpu.vector_load %arg8[%parallel_loop3A_242, %parallel_loop3A_243] {strides = array<i32>} : memref<128x65xf32, #tpu.memory_space<vmem>>, vector<16xf32>,
        tpu.vector_store %arg8[%parallel_loop3A_242, %parallel_loop3A_243], %parallel_loop3A_241 {strides = array<i32>} : memref<128x65xf32, #tpu.memory_space<vmem>>, vector<16xf32>,
        %parallel_loop3A_245 = arith.index_cast %parallel_loop3A_232 : i32 to index
        %parallel_loop3A_246 = arith.constant 32 : index
        %parallel_loop3A_247 = tpu.vector_load %arg7[%parallel_loop3A_245, %parallel_loop3A_246] {strides = array<i32>} : memref<128x64xf32, #tpu.memory_space<vmem>>, vector<16xf32>,
        %parallel_loop3A_248 = arith.index_cast %parallel_loop3A_232 : i32 to index
        %parallel_loop3A_249 = arith.constant 32 : index
        %parallel_loop3A_250 = tpu.vector_load %arg8[%parallel_loop3A_248, %parallel_loop3A_249] {strides = array<i32>} : memref<128x65xf32, #tpu.memory_space<vmem>>, vector<16xf32>,
        tpu.vector_store %arg8[%parallel_loop3A_248, %parallel_loop3A_249], %parallel_loop3A_247 {strides = array<i32>} : memref<128x65xf32, #tpu.memory_space<vmem>>, vector<16xf32>,
        %parallel_loop3A_251 = arith.index_cast %parallel_loop3A_232 : i32 to index
        %parallel_loop3A_252 = arith.constant 48 : index
        %parallel_loop3A_253 = tpu.vector_load %arg7[%parallel_loop3A_251, %parallel_loop3A_252] {strides = array<i32>} : memref<128x64xf32, #tpu.memory_space<vmem>>, vector<16xf32>,
        %parallel_loop3A_254 = arith.index_cast %parallel_loop3A_232 : i32 to index
        %parallel_loop3A_255 = arith.constant 48 : index
        %parallel_loop3A_256 = tpu.vector_load %arg8[%parallel_loop3A_254, %parallel_loop3A_255] {strides = array<i32>} : memref<128x65xf32, #tpu.memory_space<vmem>>, vector<16xf32>,
        tpu.vector_store %arg8[%parallel_loop3A_254, %parallel_loop3A_255], %parallel_loop3A_253 {strides = array<i32>} : memref<128x65xf32, #tpu.memory_space<vmem>>, vector<16xf32>,
        %parallel_loop3A_257 = arith.constant 4 : i32
        %parallel_loop3A_258 = arith.muli %parallel_loop3A_172, %parallel_loop3A_257 : i32
        %parallel_loop3A_259 = arith.constant 3 : i32
        %parallel_loop3A_260 = arith.addi %parallel_loop3A_258, %parallel_loop3A_259 : i32
        %parallel_loop3A_261 = arith.index_cast %parallel_loop3A_260 : i32 to index
        %parallel_loop3A_262 = arith.constant 0 : index
        %parallel_loop3A_263 = tpu.vector_load %arg7[%parallel_loop3A_261, %parallel_loop3A_262] {strides = array<i32>} : memref<128x64xf32, #tpu.memory_space<vmem>>, vector<16xf32>,
        %parallel_loop3A_264 = arith.index_cast %parallel_loop3A_260 : i32 to index
        %parallel_loop3A_265 = arith.constant 0 : index
        %parallel_loop3A_266 = tpu.vector_load %arg8[%parallel_loop3A_264, %parallel_loop3A_265] {strides = array<i32>} : memref<128x65xf32, #tpu.memory_space<vmem>>, vector<16xf32>,
        tpu.vector_store %arg8[%parallel_loop3A_264, %parallel_loop3A_265], %parallel_loop3A_263 {strides = array<i32>} : memref<128x65xf32, #tpu.memory_space<vmem>>, vector<16xf32>,
        %parallel_loop3A_267 = arith.index_cast %parallel_loop3A_260 : i32 to index
        %parallel_loop3A_268 = arith.constant 16 : index
        %parallel_loop3A_269 = tpu.vector_load %arg7[%parallel_loop3A_267, %parallel_loop3A_268] {strides = array<i32>} : memref<128x64xf32, #tpu.memory_space<vmem>>, vector<16xf32>,
        %parallel_loop3A_270 = arith.index_cast %parallel_loop3A_260 : i32 to index
        %parallel_loop3A_271 = arith.constant 16 : index
        %parallel_loop3A_272 = tpu.vector_load %arg8[%parallel_loop3A_270, %parallel_loop3A_271] {strides = array<i32>} : memref<128x65xf32, #tpu.memory_space<vmem>>, vector<16xf32>,
        tpu.vector_store %arg8[%parallel_loop3A_270, %parallel_loop3A_271], %parallel_loop3A_269 {strides = array<i32>} : memref<128x65xf32, #tpu.memory_space<vmem>>, vector<16xf32>,
        %parallel_loop3A_273 = arith.index_cast %parallel_loop3A_260 : i32 to index
        %parallel_loop3A_274 = arith.constant 32 : index
        %parallel_loop3A_275 = tpu.vector_load %arg7[%parallel_loop3A_273, %parallel_loop3A_274] {strides = array<i32>} : memref<128x64xf32, #tpu.memory_space<vmem>>, vector<16xf32>,
        %parallel_loop3A_276 = arith.index_cast %parallel_loop3A_260 : i32 to index
        %parallel_loop3A_277 = arith.constant 32 : index
        %parallel_loop3A_278 = tpu.vector_load %arg8[%parallel_loop3A_276, %parallel_loop3A_277] {strides = array<i32>} : memref<128x65xf32, #tpu.memory_space<vmem>>, vector<16xf32>,
        tpu.vector_store %arg8[%parallel_loop3A_276, %parallel_loop3A_277], %parallel_loop3A_275 {strides = array<i32>} : memref<128x65xf32, #tpu.memory_space<vmem>>, vector<16xf32>,
        %parallel_loop3A_279 = arith.index_cast %parallel_loop3A_260 : i32 to index
        %parallel_loop3A_280 = arith.constant 48 : index
        %parallel_loop3A_281 = tpu.vector_load %arg7[%parallel_loop3A_279, %parallel_loop3A_280] {strides = array<i32>} : memref<128x64xf32, #tpu.memory_space<vmem>>, vector<16xf32>,
        %parallel_loop3A_282 = arith.index_cast %parallel_loop3A_260 : i32 to index
        %parallel_loop3A_283 = arith.constant 48 : index
        %parallel_loop3A_284 = tpu.vector_load %arg8[%parallel_loop3A_282, %parallel_loop3A_283] {strides = array<i32>} : memref<128x65xf32, #tpu.memory_space<vmem>>, vector<16xf32>,
        tpu.vector_store %arg8[%parallel_loop3A_282, %parallel_loop3A_283], %parallel_loop3A_281 {strides = array<i32>} : memref<128x65xf32, #tpu.memory_space<vmem>>, vector<16xf32>,
      } {sc.loop_unroll_factor = 4 : i64, sc.parallel_access}
      %parallel_loop3A_133 = arith.constant 0 : i32
      %parallel_loop3A_134 = arith.constant 64 : i32
      %parallel_loop3A_135 = arith.constant 1 : i32
      scf.for %parallel_loop3A_172 = %parallel_loop3A_133 to %parallel_loop3A_134 step %parallel_loop3A_135  : i32 {
        %parallel_loop3A_173 = vector.broadcast %parallel_loop3A_172 : i32 to vector<16xi32>
        %parallel_loop3A_174 = arith.constant 8 : i32
        %parallel_loop3A_175 = arith.divsi %parallel_loop3A_172, %parallel_loop3A_174 : i32
        %parallel_loop3A_176 = arith.constant 0 : i32
        %parallel_loop3A_177 = arith.cmpi sgt, %parallel_loop3A_172, %parallel_loop3A_176 : i32
        %parallel_loop3A_178 = arith.extui %parallel_loop3A_177 : i1 to i32
        %parallel_loop3A_179 = arith.constant 0 : i32
        %parallel_loop3A_180 = arith.cmpi slt, %parallel_loop3A_172, %parallel_loop3A_179 : i32
        %parallel_loop3A_181 = arith.extui %parallel_loop3A_180 : i1 to i32
        %parallel_loop3A_182 = arith.subi %parallel_loop3A_178, %parallel_loop3A_181 : i32
        %parallel_loop3A_183 = arith.constant 0 : i32
        %parallel_loop3A_184 = arith.cmpi sgt, %parallel_loop3A_174, %parallel_loop3A_183 : i32
        %parallel_loop3A_185 = arith.extui %parallel_loop3A_184 : i1 to i32
        %parallel_loop3A_186 = arith.constant 0 : i32
        %parallel_loop3A_187 = arith.cmpi slt, %parallel_loop3A_174, %parallel_loop3A_186 : i32
        %parallel_loop3A_188 = arith.extui %parallel_loop3A_187 : i1 to i32
        %parallel_loop3A_189 = arith.subi %parallel_loop3A_185, %parallel_loop3A_188 : i32
        %parallel_loop3A_190 = arith.cmpi ne, %parallel_loop3A_182, %parallel_loop3A_189 : i32
        %parallel_loop3A_191 = arith.remsi %parallel_loop3A_172, %parallel_loop3A_174 : i32
        %parallel_loop3A_192 = arith.constant 0 : i32
        %parallel_loop3A_193 = arith.cmpi ne, %parallel_loop3A_191, %parallel_loop3A_192 : i32
        %parallel_loop3A_194 = arith.andi %parallel_loop3A_190, %parallel_loop3A_193 : i1
        %parallel_loop3A_195 = arith.constant 1 : i32
        %parallel_loop3A_196 = arith.subi %parallel_loop3A_175, %parallel_loop3A_195 : i32
        %parallel_loop3A_197 = arith.select %parallel_loop3A_194, %parallel_loop3A_196, %parallel_loop3A_175 : i32
        %parallel_loop3A_198 = arith.constant 8 : i32
        %parallel_loop3A_199 = arith.constant 0 : i32
        %parallel_loop3A_200 = arith.cmpi eq, %parallel_loop3A_198, %parallel_loop3A_199 : i32
        %parallel_loop3A_201 = arith.constant 1 : i32
        %parallel_loop3A_202 = arith.select %parallel_loop3A_200, %parallel_loop3A_201, %parallel_loop3A_198 : i32
        %parallel_loop3A_203 = arith.remsi %parallel_loop3A_172, %parallel_loop3A_202 : i32
        %parallel_loop3A_204 = arith.constant 0 : i32
        %parallel_loop3A_205 = arith.cmpi ne, %parallel_loop3A_203, %parallel_loop3A_204 : i32
        %parallel_loop3A_206 = arith.constant 0 : i32
        %parallel_loop3A_207 = arith.cmpi slt, %parallel_loop3A_203, %parallel_loop3A_206 : i32
        %parallel_loop3A_208 = arith.constant 0 : i32
        %parallel_loop3A_209 = arith.cmpi slt, %parallel_loop3A_202, %parallel_loop3A_208 : i32
        %parallel_loop3A_210 = arith.xori %parallel_loop3A_207, %parallel_loop3A_209 : i1
        %parallel_loop3A_211 = arith.andi %parallel_loop3A_210, %parallel_loop3A_205 : i1
        %parallel_loop3A_212 = arith.addi %parallel_loop3A_203, %parallel_loop3A_202 : i32
        %parallel_loop3A_213 = arith.select %parallel_loop3A_211, %parallel_loop3A_212, %parallel_loop3A_203 : i32
        %parallel_loop3A_214 = arith.constant 128 : i32
        %parallel_loop3A_215 = arith.muli %parallel_loop3A_213, %parallel_loop3A_214 : i32
        %parallel_loop3A_216 = tpu.vector_load_idx %arg8[%add3A_5, %parallel_loop3A_173] : memref<128x65xf32, #tpu.memory_space<vmem>>[vector<16xi32>, vector<16xi32>], vector<16xf32>,
        %parallel_loop3A_217 = arith.constant 0 : i32
        %parallel_loop3A_218 = arith.addi %parallel_loop3A_215, %parallel_loop3A_217 : i32
        %parallel_loop3A_219 = arith.index_cast %parallel_loop3A_197 : i32 to index
        %parallel_loop3A_220 = arith.index_cast %parallel_loop3A_218 : i32 to index
        %parallel_loop3A_221 = tpu.vector_load %arg10[%parallel_loop3A_219, %parallel_loop3A_220] {strides = array<i32>} : memref<8x1024xf32, #tpu.memory_space<vmem>>, vector<16xf32>,
        tpu.vector_store %arg10[%parallel_loop3A_219, %parallel_loop3A_220], %parallel_loop3A_216 {strides = array<i32>} : memref<8x1024xf32, #tpu.memory_space<vmem>>, vector<16xf32>,
        %parallel_loop3A_222 = tpu.vector_load_idx %arg8[%add3A_8, %parallel_loop3A_173] : memref<128x65xf32, #tpu.memory_space<vmem>>[vector<16xi32>, vector<16xi32>], vector<16xf32>,
        %parallel_loop3A_223 = arith.constant 16 : i32
        %parallel_loop3A_224 = arith.addi %parallel_loop3A_215, %parallel_loop3A_223 : i32
        %parallel_loop3A_225 = arith.index_cast %parallel_loop3A_197 : i32 to index
        %parallel_loop3A_226 = arith.index_cast %parallel_loop3A_224 : i32 to index
        %parallel_loop3A_227 = tpu.vector_load %arg10[%parallel_loop3A_225, %parallel_loop3A_226] {strides = array<i32>} : memref<8x1024xf32, #tpu.memory_space<vmem>>, vector<16xf32>,
        tpu.vector_store %arg10[%parallel_loop3A_225, %parallel_loop3A_226], %parallel_loop3A_222 {strides = array<i32>} : memref<8x1024xf32, #tpu.memory_space<vmem>>, vector<16xf32>,
        %parallel_loop3A_228 = tpu.vector_load_idx %arg8[%add3A_11, %parallel_loop3A_173] : memref<128x65xf32, #tpu.memory_space<vmem>>[vector<16xi32>, vector<16xi32>], vector<16xf32>,
        %parallel_loop3A_229 = arith.constant 32 : i32
        %parallel_loop3A_230 = arith.addi %parallel_loop3A_215, %parallel_loop3A_229 : i32
        %parallel_loop3A_231 = arith.index_cast %parallel_loop3A_197 : i32 to index
        %parallel_loop3A_232 = arith.index_cast %parallel_loop3A_230 : i32 to index
        %parallel_loop3A_233 = tpu.vector_load %arg10[%parallel_loop3A_231, %parallel_loop3A_232] {strides = array<i32>} : memref<8x1024xf32, #tpu.memory_space<vmem>>, vector<16xf32>,
        tpu.vector_store %arg10[%parallel_loop3A_231, %parallel_loop3A_232], %parallel_loop3A_228 {strides = array<i32>} : memref<8x1024xf32, #tpu.memory_space<vmem>>, vector<16xf32>,
        %parallel_loop3A_234 = tpu.vector_load_idx %arg8[%add3A_14, %parallel_loop3A_173] : memref<128x65xf32, #tpu.memory_space<vmem>>[vector<16xi32>, vector<16xi32>], vector<16xf32>,
        %parallel_loop3A_235 = arith.constant 48 : i32
        %parallel_loop3A_236 = arith.addi %parallel_loop3A_215, %parallel_loop3A_235 : i32
        %parallel_loop3A_237 = arith.index_cast %parallel_loop3A_197 : i32 to index
        %parallel_loop3A_238 = arith.index_cast %parallel_loop3A_236 : i32 to index
        %parallel_loop3A_239 = tpu.vector_load %arg10[%parallel_loop3A_237, %parallel_loop3A_238] {strides = array<i32>} : memref<8x1024xf32, #tpu.memory_space<vmem>>, vector<16xf32>,
        tpu.vector_store %arg10[%parallel_loop3A_237, %parallel_loop3A_238], %parallel_loop3A_234 {strides = array<i32>} : memref<8x1024xf32, #tpu.memory_space<vmem>>, vector<16xf32>,
        %parallel_loop3A_240 = tpu.vector_load_idx %arg8[%add3A_17, %parallel_loop3A_173] : memref<128x65xf32, #tpu.memory_space<vmem>>[vector<16xi32>, vector<16xi32>], vector<16xf32>,
        %parallel_loop3A_241 = arith.constant 64 : i32
        %parallel_loop3A_242 = arith.addi %parallel_loop3A_215, %parallel_loop3A_241 : i32
        %parallel_loop3A_243 = arith.index_cast %parallel_loop3A_197 : i32 to index
        %parallel_loop3A_244 = arith.index_cast %parallel_loop3A_242 : i32 to index
        %parallel_loop3A_245 = tpu.vector_load %arg10[%parallel_loop3A_243, %parallel_loop3A_244] {strides = array<i32>} : memref<8x1024xf32, #tpu.memory_space<vmem>>, vector<16xf32>,
        tpu.vector_store %arg10[%parallel_loop3A_243, %parallel_loop3A_244], %parallel_loop3A_240 {strides = array<i32>} : memref<8x1024xf32, #tpu.memory_space<vmem>>, vector<16xf32>,
        %parallel_loop3A_246 = tpu.vector_load_idx %arg8[%add3A_20, %parallel_loop3A_173] : memref<128x65xf32, #tpu.memory_space<vmem>>[vector<16xi32>, vector<16xi32>], vector<16xf32>,
        %parallel_loop3A_247 = arith.constant 80 : i32
        %parallel_loop3A_248 = arith.addi %parallel_loop3A_215, %parallel_loop3A_247 : i32
        %parallel_loop3A_249 = arith.index_cast %parallel_loop3A_197 : i32 to index
        %parallel_loop3A_250 = arith.index_cast %parallel_loop3A_248 : i32 to index
        %parallel_loop3A_251 = tpu.vector_load %arg10[%parallel_loop3A_249, %parallel_loop3A_250] {strides = array<i32>} : memref<8x1024xf32, #tpu.memory_space<vmem>>, vector<16xf32>,
        tpu.vector_store %arg10[%parallel_loop3A_249, %parallel_loop3A_250], %parallel_loop3A_246 {strides = array<i32>} : memref<8x1024xf32, #tpu.memory_space<vmem>>, vector<16xf32>,
        %parallel_loop3A_252 = tpu.vector_load_idx %arg8[%add3A_23, %parallel_loop3A_173] : memref<128x65xf32, #tpu.memory_space<vmem>>[vector<16xi32>, vector<16xi32>], vector<16xf32>,
        %parallel_loop3A_253 = arith.constant 96 : i32
        %parallel_loop3A_254 = arith.addi %parallel_loop3A_215, %parallel_loop3A_253 : i32
        %parallel_loop3A_255 = arith.index_cast %parallel_loop3A_197 : i32 to index
        %parallel_loop3A_256 = arith.index_cast %parallel_loop3A_254 : i32 to index
        %parallel_loop3A_257 = tpu.vector_load %arg10[%parallel_loop3A_255, %parallel_loop3A_256] {strides = array<i32>} : memref<8x1024xf32, #tpu.memory_space<vmem>>, vector<16xf32>,
        tpu.vector_store %arg10[%parallel_loop3A_255, %parallel_loop3A_256], %parallel_loop3A_252 {strides = array<i32>} : memref<8x1024xf32, #tpu.memory_space<vmem>>, vector<16xf32>,
        %parallel_loop3A_258 = tpu.vector_load_idx %arg8[%add3A_26, %parallel_loop3A_173] : memref<128x65xf32, #tpu.memory_space<vmem>>[vector<16xi32>, vector<16xi32>], vector<16xf32>,
        %parallel_loop3A_259 = arith.constant 112 : i32
        %parallel_loop3A_260 = arith.addi %parallel_loop3A_215, %parallel_loop3A_259 : i32
        %parallel_loop3A_261 = arith.index_cast %parallel_loop3A_197 : i32 to index
        %parallel_loop3A_262 = arith.index_cast %parallel_loop3A_260 : i32 to index
        %parallel_loop3A_263 = tpu.vector_load %arg10[%parallel_loop3A_261, %parallel_loop3A_262] {strides = array<i32>} : memref<8x1024xf32, #tpu.memory_space<vmem>>, vector<16xf32>,
        tpu.vector_store %arg10[%parallel_loop3A_261, %parallel_loop3A_262], %parallel_loop3A_258 {strides = array<i32>} : memref<8x1024xf32, #tpu.memory_space<vmem>>, vector<16xf32>,
      } {sc.loop_unroll_factor = 4 : i64, sc.parallel_access}
      %add3A_136 = arith.addi %mul3A_2, %add3A_114 : i32
      %jit3A_137 = arith.constant 128 : i32
      %div3A_138 = arith.divsi %add3A_136, %jit3A_137 : i32
      %sign3A_139 = arith.constant 0 : i32
      %sign3A_140 = arith.cmpi sgt, %add3A_136, %sign3A_139 : i32
      %sign3A_141 = arith.extui %sign3A_140 : i1 to i32
      %sign3A_142 = arith.constant 0 : i32
      %sign3A_143 = arith.cmpi slt, %add3A_136, %sign3A_142 : i32
      %sign3A_144 = arith.extui %sign3A_143 : i1 to i32
      %sign3A_145 = arith.subi %sign3A_141, %sign3A_144 : i32
      %sign3A_146 = arith.constant 0 : i32
      %sign3A_147 = arith.cmpi sgt, %jit3A_137, %sign3A_146 : i32
      %sign3A_148 = arith.extui %sign3A_147 : i1 to i32
      %sign3A_149 = arith.constant 0 : i32
      %sign3A_150 = arith.cmpi slt, %jit3A_137, %sign3A_149 : i32
      %sign3A_151 = arith.extui %sign3A_150 : i1 to i32
      %sign3A_152 = arith.subi %sign3A_148, %sign3A_151 : i32
      %ne3A_153 = arith.cmpi ne, %sign3A_145, %sign3A_152 : i32
      %rem3A_154 = arith.remsi %add3A_136, %jit3A_137 : i32
      %ne3A_155 = arith.constant 0 : i32
      %ne3A_156 = arith.cmpi ne, %rem3A_154, %ne3A_155 : i32
      %and3A_157 = arith.andi %ne3A_153, %ne3A_156 : i1
      %sub3A_158 = arith.constant 1 : i32
      %sub3A_159 = arith.subi %div3A_138, %sub3A_158 : i32
      %select_n3A_160 = arith.select %and3A_157, %sub3A_159, %div3A_138 : i32
      %mul3A_161 = arith.constant 128 : i32
      %mul3A_162 = arith.muli %select_n3A_160, %mul3A_161 : i32
      %sub3A_163 = arith.subi %add3A_136, %mul3A_162 : i32
      %dma_start3A_164 = arith.constant 0 : i32
      %dma_start3A_165 = arith.constant 0 : i32
      %dma_start3A_166 = tpu.memref_slice %arg4[%select_n3A_160, %dma_start3A_164, %sub3A_163, %dma_start3A_165] : memref<50x8x128x1024xf32, #tpu.memory_space<hbm>> -> memref<1x8x1x1024xf32, #tpu.memory_space<hbm>>
      %dma_start3A_167 = tpu.memref_squeeze %dma_start3A_166 : memref<1x8x1x1024xf32, #tpu.memory_space<hbm>> -> memref<8x1024xf32, #tpu.memory_space<hbm>>
      %dma_start3A_168 = arith.constant 0 : i32
      %dma_start3A_169 = arith.constant 0 : i32
      %dma_start3A_170 = tpu.memref_slice %arg4[%select_n3A_160, %dma_start3A_168, %sub3A_163, %dma_start3A_169] : memref<50x8x128x1024xf32, #tpu.memory_space<hbm>> -> memref<1x8x1x1024xf32, #tpu.memory_space<hbm>>
      %dma_start3A_171 = tpu.memref_squeeze %dma_start3A_170 : memref<1x8x1x1024xf32, #tpu.memory_space<hbm>> -> memref<8x1024xf32, #tpu.memory_space<hbm>>
      tpu.enqueue_dma source(%arg10 : memref<8x1024xf32, #tpu.memory_space<vmem>>) target(%dma_start3A_171 : memref<8x1024xf32, #tpu.memory_space<hbm>>) target_semaphore(%arg14 : memref<!tpu.dma_semaphore, #tpu.memory_space<semaphore_mem>>)
    }
    %scan3A_37 = arith.constant 100 : i32
    %dma_wait3A = arith.constant 0 : i32
    %dma_wait3A_38 = arith.constant 0 : i32
    %dma_wait3A_39 = arith.constant 0 : i32
    %dma_wait3A_40 = arith.constant 0 : i32
    %dma_wait3A_41 = tpu.memref_slice %arg4[%dma_wait3A, %dma_wait3A_39, %dma_wait3A_38, %dma_wait3A_40] : memref<50x8x128x1024xf32, #tpu.memory_space<hbm>> -> memref<1x8x1x1024xf32, #tpu.memory_space<hbm>>
    %dma_wait3A_42 = tpu.memref_squeeze %dma_wait3A_41 : memref<1x8x1x1024xf32, #tpu.memory_space<hbm>> -> memref<8x1024xf32, #tpu.memory_space<hbm>>
    %dma_wait3A_43 = arith.constant 0 : i32
    %dma_wait3A_44 = arith.constant 0 : i32
    %dma_wait3A_45 = tpu.memref_slice %arg4[%dma_wait3A, %dma_wait3A_43, %dma_wait3A_38, %dma_wait3A_44] : memref<50x8x128x1024xf32, #tpu.memory_space<hbm>> -> memref<1x8x1x1024xf32, #tpu.memory_space<hbm>>
    %dma_wait3A_46 = tpu.memref_squeeze %dma_wait3A_45 : memref<1x8x1x1024xf32, #tpu.memory_space<hbm>> -> memref<8x1024xf32, #tpu.memory_space<hbm>>
    tpu.wait_dma2 semaphore(%arg13 : memref<!tpu.dma_semaphore, #tpu.memory_space<semaphore_mem>>) src(%arg9 : memref<8x1024xf32, #tpu.memory_space<vmem>>) dst(%dma_wait3A_46 : memref<8x1024xf32, #tpu.memory_space<hbm>>)
    %dma_wait3A_47 = arith.constant 0 : i32
    %dma_wait3A_48 = arith.constant 0 : i32
    %dma_wait3A_49 = arith.constant 0 : i32
    %dma_wait3A_50 = arith.constant 0 : i32
    %dma_wait3A_51 = tpu.memref_slice %arg4[%dma_wait3A_47, %dma_wait3A_49, %dma_wait3A_48, %dma_wait3A_50] : memref<50x8x128x1024xf32, #tpu.memory_space<hbm>> -> memref<1x8x1x1024xf32, #tpu.memory_space<hbm>>
    %dma_wait3A_52 = tpu.memref_squeeze %dma_wait3A_51 : memref<1x8x1x1024xf32, #tpu.memory_space<hbm>> -> memref<8x1024xf32, #tpu.memory_space<hbm>>
    %dma_wait3A_53 = arith.constant 0 : i32
    %dma_wait3A_54 = arith.constant 0 : i32
    %dma_wait3A_55 = tpu.memref_slice %arg4[%dma_wait3A_47, %dma_wait3A_53, %dma_wait3A_48, %dma_wait3A_54] : memref<50x8x128x1024xf32, #tpu.memory_space<hbm>> -> memref<1x8x1x1024xf32, #tpu.memory_space<hbm>>
    %dma_wait3A_56 = tpu.memref_squeeze %dma_wait3A_55 : memref<1x8x1x1024xf32, #tpu.memory_space<hbm>> -> memref<8x1024xf32, #tpu.memory_space<hbm>>
    tpu.wait_dma2 semaphore(%arg14 : memref<!tpu.dma_semaphore, #tpu.memory_space<semaphore_mem>>) src(%arg10 : memref<8x1024xf32, #tpu.memory_space<vmem>>) dst(%dma_wait3A_56 : memref<8x1024xf32, #tpu.memory_space<hbm>>)
    return
  }
}

</mosaic_0001>

<sc_bundles>
// kernel: kernel.3.cloned.1.call-start
scs
__scs_entry_jumppad:
0x0: {  	(pc) =	sbr.rel $0x88, $3  }
0x1: {  	(tag) =	ssettag $0x0;
	lr =	simm.s32 $0x1  }
0x2: {  	[smem:$0x3F9F] =	sst lr;
	_ =	strace $0xD0000000  }
0x3: {  	_ = 	snop  }
0x4: {  	_ = 	snop  }
0x5: {  	_ = 	snop  }
0x6: {  	_ = 	snop  }
0x7: {  	_ = 	snop  }
__scs_overlays_trampoline_lowered:
0x8: {  	[smem:$0x3FAE] =	sst s0  }
0x9: {  	[smem:$0x3FAF] =	sst s1  }
0xa: {  	[smem:$0x3FB0] =	sst s2  }
0xb: {  	[smem:$0x3FB1] =	sst s3  }
0xc: {  	[smem:$0x3FB2] =	sst s4  }
0xd: {  	[smem:$0x3FB3] =	sst s5  }
0xe: {  	[smem:$0x3FB4] =	sst s6  }
0xf: {  	[smem:$0x3FB5] =	sst s7  }
0x10: {  	[smem:$0x3FB6] =	sst s8  }
0x11: {  	[smem:$0x3FB7] =	sst s9;
	s0 =	simm.s32 @!p0 $0x0  }
0x12: {  	s1 =	sld [smem:$0x3F9D];
	s0 =	simm.s32 @p0 $0x1  }
0x13: {  	[smem:$0x3FB8] =	sst s0;
	s0 =	simm.s32 @!p1 $0x0  }
0x14: {  	s2 =	sld [smem:$0x3F9C];
	s0 =	simm.s32 @p1 $0x1  }
0x15: {  	[smem:$0x3FB9] =	sst s0;
	s0 =	simm.s32 @!p2 $0x0  }
0x16: {  	s3 =	sld [smem:$0x3FDB];
	s0 =	simm.s32 @p2 $0x1  }
0x17: {  	s4 =	simm.s32 $0x1BF5;
	[smem:$0x3FBB] =	sst s0  }
0x18: {  	s0 =	sld [smem:$0x3F9E];
	_ =	swait.ge [sflag:s4], $0x0  }
0x19: {  	s7 =	sld [smem:$0x3F9F]  }
0x1a: {  	s8 =	sadd.s32 $0xFFFFE003, lr  }
0x1b: {  	s9 =	sadd.s32 $0xFFFFFEF7, lr;
	s5 =	simm.s32 $0xFFFFFFFF;
	p2 =	slt.u32 s8, $0xFFFFF086  }
0x1c: {  	p1 =	slt.u32 s9, $0xF7A;
	s5 =	simm.s32 @!p2 $0x0  }
0x1d: {  	s5 =	simm.s32 @p1 $0x1;
	p0 =	seq.s32 s7, s2  }
0x1e: {  	s7 =	smul.u32 @!p0 $0xF7A, s2;
	p2 =	seq.s32 @!p0 s5, $0x0  }
0x1f: {  	s9 =	smul.u32 $0xF7A, s1;
	s8 =	simm.s32 @!p0 $0x1BF5;
	p2 =	por !p2, p0  }
0x20: {  	[sflag:s8] =	ssyncset.s32 @!p0 $0xFFFFF086;
	s6 =	sadd.s32 @!p0 s3, s7;
	s7 =	simm.s32 @!p0 $0x108  }
0x21: {  	s3 =	sadd.s32 s3, s9;
	s6 =	sadd.s32 @!p0 $0x88, s6;
	s7 =	simm.s32 @p2 $0x1082  }
0x22: {  	[simem:s7], [sflag:s8] =	dma.local @!p0 [hbm:s6], $0xF7A  }
0x23: {  	s9 =	sor.u32 $0xD0000000, s2;
	s6 =	simm.s32 $0x108;
	_ =	swait.ge @!p0 [sflag:s8], $0x0  }
0x24: {  	s3 =	sadd.s32 $0x88, s3;
	s6 =	simm.s32 @!p1 $0x1082;
	[sflag:s4] =	ssyncset.s32 $0xFFFFF086  }
0x25: {  	[simem:s6], [sflag:s4] =	dma.local [hbm:s3], $0xF7A  }
0x26: {  	[smem:$0x3F9F] =	sst s1;
	(tag) =	ssettag s2;
	_ =	strace s9  }
0x27: {  	s1 =	sld [smem:$0x3FAF]  }
0x28: {  	s2 =	sld [smem:$0x3FB0]  }
0x29: {  	s4 =	sld [smem:$0x3FB2]  }
0x2a: {  	p0 =	seq.s32 s5, $0x0;
	s5 =	sld [smem:$0x3FB3]  }
0x2b: {  	s6 =	sld [smem:$0x3FB4]  }
0x2c: {  	s7 =	sld [smem:$0x3FB5]  }
0x2d: {  	s3 =	simm.s32 $0x108;
	s8 =	sld [smem:$0x3FB6]  }
0x2e: {  	s3 =	simm.s32 @!p0 $0x1082;
	s9 =	sld [smem:$0x3FB7]  }
0x2f: {  	lr =	sadd.s32 s0, s3;
	s0 =	sld [smem:$0x3FAE]  }
0x30: {  	s3 =	sld [smem:$0x3FB1]  }
0x31: {  	[smem:$0x3FBA] =	sst s10  }
0x32: {  	s10 =	sld [smem:$0x3FB8];
	_ =	sdelay $0x3  }
0x33: {  	p0 =	seq.s32 s10, $0x1;
	s10 =	sld [smem:$0x3FBA];
	_ =	sdelay $0x3  }
0x34: {  	[smem:$0x3FBA] =	sst s10  }
0x35: {  	s10 =	sld [smem:$0x3FB9];
	_ =	sdelay $0x3  }
0x36: {  	p1 =	seq.s32 s10, $0x1;
	s10 =	sld [smem:$0x3FBA];
	_ =	sdelay $0x3  }
0x37: {  	[smem:$0x3FBA] =	sst s10  }
0x38: {  	s10 =	sld [smem:$0x3FBB]  }
0x39: {  	_ = 	snop;
	(pc) =	sbr.ind lr, $3  }
0x3a: {  	_ = 	snop  }
0x3b: {  	_ = 	snop  }
0x3c: {  	p2 =	seq.s32 s10, $0x1;
	s10 =	sld [smem:$0x3FBA]  }
0x3d: {  	_ =	shalt  }
0x3e: {  	_ =	shalt  }
0x3f: {  	_ =	shalt  }
0x40: {  	_ =	shalt  }
0x41: {  	_ =	shalt  }
0x42: {  	_ =	shalt  }
0x43: {  	_ =	shalt  }
0x44: {  	_ =	shalt  }
0x45: {  	_ =	shalt  }
0x46: {  	_ =	shalt  }
0x47: {  	_ =	shalt  }
0x48: {  	_ =	shalt  }
0x49: {  	_ =	shalt  }
0x4a: {  	_ =	shalt  }
0x4b: {  	_ =	shalt  }
0x4c: {  	_ =	shalt  }
0x4d: {  	_ =	shalt  }
0x4e: {  	_ =	shalt  }
0x4f: {  	_ =	shalt  }
0x50: {  	_ =	shalt  }
0x51: {  	_ =	shalt  }
0x52: {  	_ =	shalt  }
0x53: {  	_ =	shalt  }
0x54: {  	_ =	shalt  }
0x55: {  	_ =	shalt  }
0x56: {  	_ =	shalt  }
0x57: {  	_ =	shalt  }
0x58: {  	_ =	shalt  }
0x59: {  	_ =	shalt  }
0x5a: {  	_ =	shalt  }
0x5b: {  	_ =	shalt  }
0x5c: {  	_ =	shalt  }
0x5d: {  	_ =	shalt  }
0x5e: {  	_ =	shalt  }
0x5f: {  	_ =	shalt  }
0x60: {  	_ =	shalt  }
0x61: {  	_ =	shalt  }
0x62: {  	_ =	shalt  }
0x63: {  	_ =	shalt  }
0x64: {  	_ =	shalt  }
0x65: {  	_ =	shalt  }
0x66: {  	_ =	shalt  }
0x67: {  	_ =	shalt  }
0x68: {  	_ =	shalt  }
0x69: {  	_ =	shalt  }
0x6a: {  	_ =	shalt  }
0x6b: {  	_ =	shalt  }
0x6c: {  	_ =	shalt  }
0x6d: {  	_ =	shalt  }
0x6e: {  	_ =	shalt  }
0x6f: {  	_ =	shalt  }
0x70: {  	_ =	shalt  }
0x71: {  	_ =	shalt  }
0x72: {  	_ =	shalt  }
0x73: {  	_ =	shalt  }
0x74: {  	_ =	shalt  }
0x75: {  	_ =	shalt  }
0x76: {  	_ =	shalt  }
0x77: {  	_ =	shalt  }
0x78: {  	_ =	shalt  }
0x79: {  	_ =	shalt  }
0x7a: {  	_ =	shalt  }
0x7b: {  	_ =	shalt  }
0x7c: {  	_ =	shalt  }
0x7d: {  	_ =	shalt  }
0x7e: {  	_ =	shalt  }
0x7f: {  	_ =	shalt  }
0x80: {  	_ =	shalt  }
0x81: {  	_ =	shalt  }
0x82: {  	_ =	shalt  }
0x83: {  	_ =	shalt  }
0x84: {  	_ =	shalt  }
0x85: {  	_ =	shalt  }
0x86: {  	_ =	shalt  }
0x87: {  	_ =	shalt  }
.Lfunc_end0:
.L_simem_size_0:
called_computation_lowered:
.L_overlay_start_0:
0x88: {  	s2 =	sld [smem:$0x3FD9]  }
0x89: {  	s3 =	sld [smem:$0x3FFE];
	_ =	sdelay $0x1  }
0x8a: {  	s1 =	srdreg.scid  }
0x8b: {  	s0 =	sand.u32 $0x1, s1  }
0x8c: {  	s17 =	sshll.u32 s0, $0xA;
	s2 =	sadd.s32 s3, s2  }
0x8d: {  	s2 =	sadd.s32 s2, s17  }
0x8e: {  	[smem:$0x3FC6] =	sst s2  }
0x8f: {  	_ = 	snop  }
0x90: {  	s2 =	sld [smem:$0x3FD0];
	(tm) =	ssettm $0x1  }
0x91: {  	s18 =	sld [smem:$0x3FFB];
	_ =	sdelay $0x3  }
0x92: {  	_ =	strace s18  }
0x93: {  	s3 =	sld [smem:$0x3FFC];
	_ =	sdelay $0x3  }
0x94: {  	_ =	strace s3  }
0x95: {  	s3 =	sld [smem:$0x3FFD];
	_ =	sdelay $0x3  }
0x96: {  	_ =	strace s3  }
0x97: {  	_ =	strace $0x8FFFFFFF  }
0x98: {  	s19 =	sld [smem:$0x3FDB];
	_ =	sdelay $0x1  }
0x99: {  	s4 =	simm.s32 $_scs_section_size  }
0x9a: {  	s5 =	simm.s32 $_size__tile_overlayer_lowered;
	s6 =	simm.s32 $_tile_overlayer_lowered  }
0x9b: {  	s22 =	simm.s32 $0x1BFF;
	s21 =	sshll.u32 s6, $0x1;
	s3 =	sadd.s32 s4, s19  }
0x9c: {  	s7 =	simm.s32 $0x0;
	s20 =	sshll.u32 s5, $0x1;
	s5 =	sadd.s32 s21, s3  }
0x9d: {  	[timem:s7], [sflag:s22] =	dma.local [hbm:s5], s20  }
0x9e: {  	_ =	swait.ge [sflag:s22], s20  }
0x9f: {  	s4 =	ssub.s32 $0x0, s20;
	[sflag:s22] =	ssyncset.done $0x0  }
0xa0: {  	[sflag:s22] =	ssyncadd.s32 s4;
	_ =	sdelay $0x1  }
0xa1: {  	s23 =	simm.s32 $0x1B8B  }
0xa2: {  	_ =	swait.ge [sflag:s23], $0x1  }
0xa3: {  	[sflag:s23] =	ssyncset.done $0x0  }
0xa4: {  	s25 =	simm.s32 $0x1B8E;
	s24 =	sld [smem:$0x3FFE];
	[sflag:s23] =	ssyncadd.s32 $0xFFFFFFFF  }
0xa5: {  	s26 =	simm.s32 $execute0_lowered;
	[smem:$0x3FD2] =	sst s25  }
0xa6: {  	s5 =	sshll.u32 s26, $0x1;
	_ =	strace $0x80000046;
	[dreg:$0x1] =	wrdreg $0xFFFFFFFF  }
0xa7: {  	s28 =	simm.s32 $_size_execute0_lowered;
	s3 =	sadd.s32 s3, s5;
	[dreg:$0x0] =	wrdreg $0x0  }
0xa8: {  	s5 =	sshll.u32 s28, $0x1;
	[dreg:$0x2] =	wrdreg s3  }
0xa9: {  	[dreg:$0x3] =	wrdreg s5  }
0xaa: {  	[dreg:$0x4] =	wrdreg $0xC0  }
0xab: {  	_ =	task [dreg:s7], $0x5FFFF  }
0xac: {  	[dreg:$0x1] =	wrdreg $0xFFFFFFFF  }
0xad: {  	[dreg:$0x0] =	wrdreg $0x60  }
0xae: {  	[dreg:$0x2] =	wrdreg s24  }
0xaf: {  	[dreg:$0x3] =	wrdreg s2  }
0xb0: {  	[dreg:$0x4] =	wrdreg $0x9  }
0xb1: {  	_ =	task.clear_ibuf [dreg:s7], $0x5FFFF;
	_ =	strace $0x90000046  }
0xb2: {  	s29 =	simm.s32 $0x9;
	_ =	strace $0x80000048  }
0xb3: {  	_ =	swait.ge [sflag:s29], $0x1  }
0xb4: {  	[sflag:s29] =	ssyncadd.s32 $0xFFFFFFFF  }
0xb5: {  	_ =	strace $0x90000048  }
0xb6: {  	_ =	sfence  }
0xb7: {  	s30 =	sld [smem:$0x0];
	_ =	sdelay $0x2  }
0xb8: {  	s31 =	sshll.u32 s1, $0xD;
	s1 =	sshrl.u32 s1, $0x2  }
0xb9: {  	s3 =	sand.u32 $0x4000, s31;
	s1 =	sadd.s32 s1, s30  }
0xba: {  	s0 =	sor.u32 s3, s0;
	s1 =	sshll.u32 s1, $0x11  }
0xbb: {  	s0 =	sor.u32 s1, s0  }
0xbc: {  	s0 =	sadd.s32 $0x8F2B, s0  }
0xbd: {  	[sflag:s0] =	ssyncadd.remote.s32 $0x1  }
0xbe: {  	_ =	sfence.sel $0xFFFF  }
0xbf: {  	[dreg:$0x0] =	wrdreg $0xFFFFFFFF;
	(pc) =	sbr.abs _section_cstart, $3  }
0xc0: {  	[dreg:$0x1] =	wrdreg $0xFFFFFFFF  }
0xc1: {  	_ =	task.clear_ibuf [dreg:s7], $0x2FFFF;
	_ =	strace $0x9FFFFFFF  }
0xc2: {  	(tm) =	ssettm $0x7FFFFFFF  }
0xc3: {  	_ =	shalt  }
tec
execute0_lowered:
.L_overlay_start_1:
0x0: {  	(tag) =	ssettag $0x1  }
0x1: {  	s0 =	rddreg [dreg:$0x0]  }
0x2: {  	s1 =	srdreg.scid;
	s3 =	stileid.u32  }
0x3: {  	s2 =	rddreg [dreg:$0x1];
	s4 =	simm.s32 $0x0;
	s9 =	simm.s32 $0x80  }
0x4: {  	s11 =	simm.s32 $0x8400;
	s12 =	simm.s32 $0x1;
	s13 =	simm.s32 $0xA400  }
0x5: {  	s14 =	simm.s32 $0x400;
	s1 =	sand.u32 $0x1, s1;
	s3 =	sshll.u32 s3, $0x1  }
0x6: {  	s15 =	simm.s32 $0x20000;
	s16 =	simm.s32 $0xC800;
	s3 =	sor.u32 s1, s3  }
0x7: {  	v0 =	vlaneseq.u32;
	s17 =	simm.s32 $0x2;
	s18 =	simm.s32 $0x4;
	s29 =	smul.u32 $0xC80, s3  }
.Ltmp0:
0x8: {  	s19 =	simm.s32 $0xE800;
	v0 =	vmul.u32 $0x48, v0;
	s1 =	ssub.s32 $0x2, s1;
	(pc) =	sbr.rel .LBB2_1-.Ltmp0, $4  }
0x9: {  	[smem:$0x7FF] =	sst s4;
	s30 =	sshrl.u32 s1, $0x1;
	s6 =	sadd.s32 s29, s0  }
0xa: {  	s4 =	sadd.s32 $0xF42A00, s0;
	v1 =	vadd.s32 $0x480, v0;
	s0 =	ssub.s32 s1, s30;
	s31 =	sadd.s32 $0x600, s6  }
0xb: {  	_ =	strace $0x80000047;
	v2 =	vadd.s32 $0x900, v0;
	v3 =	vadd.s32 $0xD80, v0;
	v4 =	vadd.s32 $0x1200, v0;
	s0 =	smax.u32 s0, $0x1;
	[dreg:$0x3] =	wrdreg s31  }
0xc: {  	s5 =	smul.u32 $0xC8, s3;
	v5 =	vadd.s32 $0x1680, v0;
	v6 =	vadd.s32 $0x1B00, v0;
	v7 =	vadd.s32 $0x1F80, v0;
	s1 =	simm.s32 $0x0;
	[dreg:$0x4] =	wrdreg s0  }
.LBB2_27:
0xd: {  	s0 =	simm.s32 $0x3  }
0xe: {  	_ =	swait.ge [sflag:s0], $0x2000  }
0xf: {  	[sflag:s0] =	ssyncset.done $0x0  }
0x10: {  	[sflag:s0] =	ssyncadd.s32 $0xFFFFE000  }
0x11: {  	_ =	swait.ge [sflag:s18], $0x2000  }
0x12: {  	s1 =	rddreg [dreg:$0x5]  }
0x13: {  	s31 =	rddreg [dreg:$0x4];
	s1 =	sadd.s32 $0x1, s1  }
0x14: {  	p0 =	sne.s32 s1, s31  }
.Ltmp1:
0x15: {  	_ = 	snop;
	(pc) =	sbr.rel @!p0 .LBB2_28-.Ltmp1, $3  }
0x16: {  	_ =	sdelay $0x1  }
0x17: {  	[sflag:s18] =	ssyncset.done $0x0  }
0x18: {  	[sflag:s18] =	ssyncadd.s32 $0xFFFFE000  }
.LBB2_1:
0x19: {  	[dreg:$0x5] =	wrdreg s1  }
0x1a: {  	s0 =	simm.s32 $0x0;
	s29 =	rddreg [dreg:$0x3];
	s30 =	simm.s32 $0x5  }
0x1b: {  	[tilespmem:s0], [sflag:$0x5] =	stream.linear.gather [hbm4b:s29+s0], $0x6400, $0x38;
	[tilespmem:$0x10800] =	vst v63  }
0x1c: {  	_ =	swait.ge [sflag:s30], $0x6400  }
0x1d: {  	[sflag:s30] =	ssyncset.done $0x0  }
0x1e: {  	s31 =	simm.s32 $0x6400;
	s22 =	simm.s32 $0x0;
	[sflag:s30] =	ssyncadd.s32 $0xFFFF9C00  }
0x1f: {  	[tilespmem:s31], [sflag:$0x1] =	stream.indirect.gather [hbm4b:s4+s9], $0x40, s0, s9, $0xb8;
	[tilespmem:$0x10800] =	vst v63  }
.LBB2_2:
0x20: {  	s23 =	sshllo.u32 s22, $0x1  }
0x21: {  	s0 =	sshll.u32 s23, $0x7  }
0x22: {  	s0 =	sand.u32 $0x3FFFFF80, s0  }
0x23: {  	[tilespmem:s11], [sflag:$0x2] =	stream.indirect.gather [hbm4b:s4+s9], $0x40, s0, s9, $0xb8;
	[tilespmem:$0x10800] =	vst v63  }
0x24: {  	_ =	swait.ge [sflag:s12], $0x2000  }
0x25: {  	p0 =	seq.s32 s22, $0x0;
	[sflag:s12] =	ssyncset.done $0x0  }
0x26: {  	s0 =	simm.s32 @!p0 $0x3;
	[sflag:s12] =	ssyncadd.s32 $0xFFFFE000  }
0x27: {  	_ =	swait.ge @!p0 [sflag:s0], $0x2000  }
0x28: {  	[sflag:s0] =	ssyncset.done @!p0 $0x0  }
0x29: {  	s31 =	simm.s32 $0x6600;
	[sflag:s0] =	ssyncadd.s32 @!p0 $0xFFFFE000  }
0x2a: {  	v9 =	vld [tilespmem:s31+$0xFFFFFF00];
	_ =	sdelay $0x2  }
0x2b: {  	v8 =	vld [tilespmem:s31+$0x100]  }
0x2c: {  	s25 =	simm.s32 $0xA640;
	v10 =	vld [tilespmem:s31+$0x0]  }
0x2d: {  	[tilespmem:s25+$0xFFFFFEE0] =	vst v9  }
0x2e: {  	v9 =	vld [tilespmem:s31+$0xFFFFFF10]  }
0x2f: {  	v11 =	vld [tilespmem:s31+$0xFFFFFE00]  }
0x30: {  	[tilespmem:s25+$0x120] =	vst v8  }
0x31: {  	[tilespmem:s25+$0x0] =	vst v10;
	v8 =	vld [tilespmem:s31+$0x110]  }
0x32: {  	v10 =	vld [tilespmem:s31+$0x10]  }
0x33: {  	[tilespmem:s25+$0xFFFFFEF0] =	vst v9  }
0x34: {  	[tilespmem:s25+$0xFFFFFDC0] =	vst v11;
	v9 =	vld [tilespmem:s31+$0xFFFFFF20]  }
0x35: {  	v11 =	vld [tilespmem:s31+$0xFFFFFE10]  }
0x36: {  	[tilespmem:s25+$0x130] =	vst v8  }
0x37: {  	[tilespmem:s25+$0x10] =	vst v10;
	v8 =	vld [tilespmem:s31+$0x120]  }
0x38: {  	v10 =	vld [tilespmem:s31+$0x20]  }
0x39: {  	[tilespmem:s25+$0xFFFFFF00] =	vst v9  }
0x3a: {  	[tilespmem:s25+$0xFFFFFDD0] =	vst v11;
	v9 =	vld [tilespmem:s31+$0xFFFFFF30]  }
0x3b: {  	v11 =	vld [tilespmem:s31+$0xFFFFFE20]  }
0x3c: {  	[tilespmem:s25+$0x140] =	vst v8  }
0x3d: {  	[tilespmem:s25+$0x20] =	vst v10;
	v8 =	vld [tilespmem:s31+$0x130]  }
0x3e: {  	v10 =	vld [tilespmem:s31+$0x30]  }
0x3f: {  	[tilespmem:s25+$0xFFFFFF10] =	vst v9  }
0x40: {  	[tilespmem:s25+$0xFFFFFDE0] =	vst v11;
	v9 =	vld [tilespmem:s31+$0xFFFFFF40]  }
0x41: {  	v11 =	vld [tilespmem:s31+$0xFFFFFE30]  }
0x42: {  	[tilespmem:s25+$0x150] =	vst v8  }
0x43: {  	[tilespmem:s25+$0x30] =	vst v10;
	v8 =	vld [tilespmem:s31+$0x140]  }
0x44: {  	v10 =	vld [tilespmem:s31+$0x40]  }
0x45: {  	[tilespmem:s25+$0xFFFFFF28] =	vst v9  }
0x46: {  	[tilespmem:s25+$0xFFFFFDF0] =	vst v11;
	v9 =	vld [tilespmem:s31+$0xFFFFFF50]  }
0x47: {  	v11 =	vld [tilespmem:s31+$0xFFFFFE40]  }
0x48: {  	[tilespmem:s25+$0x168] =	vst v8  }
0x49: {  	[tilespmem:s25+$0x48] =	vst v10;
	v8 =	vld [tilespmem:s31+$0x150]  }
0x4a: {  	v10 =	vld [tilespmem:s31+$0x50]  }
0x4b: {  	[tilespmem:s25+$0xFFFFFF38] =	vst v9  }
0x4c: {  	[tilespmem:s25+$0xFFFFFE08] =	vst v11;
	v9 =	vld [tilespmem:s31+$0xFFFFFF60]  }
0x4d: {  	v11 =	vld [tilespmem:s31+$0xFFFFFE50]  }
0x4e: {  	[tilespmem:s25+$0x178] =	vst v8  }
0x4f: {  	[tilespmem:s25+$0x58] =	vst v10;
	v8 =	vld [tilespmem:s31+$0x160]  }
0x50: {  	v10 =	vld [tilespmem:s31+$0x60]  }
0x51: {  	[tilespmem:s25+$0xFFFFFF48] =	vst v9  }
0x52: {  	[tilespmem:s25+$0xFFFFFE18] =	vst v11;
	v9 =	vld [tilespmem:s31+$0xFFFFFF70]  }
0x53: {  	v11 =	vld [tilespmem:s31+$0xFFFFFE60]  }
0x54: {  	[tilespmem:s25+$0x188] =	vst v8  }
0x55: {  	[tilespmem:s25+$0x68] =	vst v10;
	v8 =	vld [tilespmem:s31+$0x170]  }
0x56: {  	v10 =	vld [tilespmem:s31+$0x70]  }
0x57: {  	[tilespmem:s25+$0xFFFFFF58] =	vst v9  }
0x58: {  	[tilespmem:s25+$0xFFFFFE28] =	vst v11;
	v9 =	vld [tilespmem:s31+$0xFFFFFF80]  }
0x59: {  	v11 =	vld [tilespmem:s31+$0xFFFFFE70]  }
0x5a: {  	[tilespmem:s25+$0x198] =	vst v8  }
0x5b: {  	[tilespmem:s25+$0x78] =	vst v10;
	v8 =	vld [tilespmem:s31+$0x180]  }
0x5c: {  	v10 =	vld [tilespmem:s31+$0x80]  }
0x5d: {  	[tilespmem:s25+$0xFFFFFF70] =	vst v9  }
0x5e: {  	[tilespmem:s25+$0xFFFFFE38] =	vst v11;
	v9 =	vld [tilespmem:s31+$0xFFFFFF90]  }
0x5f: {  	s28 =	simm.s32 $0x6A00;
	v11 =	vld [tilespmem:s31+$0xFFFFFE80]  }
0x60: {  	v12 =	vld [tilespmem:s28+$0x100];
	[tilespmem:s25+$0x1B0] =	vst v8  }
0x61: {  	[tilespmem:s25+$0x90] =	vst v10;
	v8 =	vld [tilespmem:s31+$0x190]  }
0x62: {  	v10 =	vld [tilespmem:s31+$0x90]  }
0x63: {  	v13 =	vld [tilespmem:s28+$0xFFFFFF00];
	[tilespmem:s25+$0xFFFFFF80] =	vst v9  }
0x64: {  	s26 =	simm.s32 $0xAAC0;
	[tilespmem:s25+$0xFFFFFE50] =	vst v11;
	v9 =	vld [tilespmem:s31+$0xFFFFFFA0]  }
0x65: {  	[tilespmem:s26+$0x120] =	vst v12;
	v11 =	vld [tilespmem:s31+$0xFFFFFE90]  }
0x66: {  	v12 =	vld [tilespmem:s28+$0x110];
	[tilespmem:s25+$0x1C0] =	vst v8  }
0x67: {  	[tilespmem:s25+$0xA0] =	vst v10;
	v8 =	vld [tilespmem:s31+$0x1A0]  }
0x68: {  	[tilespmem:s26+$0xFFFFFEE0] =	vst v13;
	v10 =	vld [tilespmem:s31+$0xA0]  }
0x69: {  	[tilespmem:s25+$0xFFFFFF90] =	vst v9;
	v9 =	vld [tilespmem:s28+$0x0]  }
0x6a: {  	[tilespmem:s25+$0xFFFFFE60] =	vst v11;
	v11 =	vld [tilespmem:s28+$0xFFFFFE00]  }
0x6b: {  	v13 =	vld [tilespmem:s28+$0xFFFFFF10];
	[tilespmem:s26+$0x130] =	vst v12  }
0x6c: {  	v12 =	vld [tilespmem:s28+$0x120];
	[tilespmem:s25+$0x1D0] =	vst v8  }
0x6d: {  	[tilespmem:s25+$0xB0] =	vst v10;
	v10 =	vld [tilespmem:s31+$0xFFFFFEA0]  }
0x6e: {  	v8 =	vld [tilespmem:s31+$0x1B0];
	[tilespmem:s26+$0x0] =	vst v9  }
0x6f: {  	[tilespmem:s26+$0xFFFFFDC0] =	vst v11;
	v9 =	vld [tilespmem:s28+$0x10]  }
0x70: {  	[tilespmem:s26+$0xFFFFFEF0] =	vst v13;
	v11 =	vld [tilespmem:s28+$0xFFFFFE10]  }
0x71: {  	v13 =	vld [tilespmem:s28+$0xFFFFFF20];
	[tilespmem:s26+$0x140] =	vst v12  }
0x72: {  	v12 =	vld [tilespmem:s28+$0x130];
	[tilespmem:s25+$0xFFFFFE70] =	vst v10  }
0x73: {  	[tilespmem:s25+$0x1E0] =	vst v8;
	v10 =	vld [tilespmem:s31+$0xFFFFFEB0]  }
0x74: {  	v8 =	vld [tilespmem:s31+$0x1C0];
	[tilespmem:s26+$0x10] =	vst v9  }
0x75: {  	[tilespmem:s26+$0xFFFFFDD0] =	vst v11;
	v9 =	vld [tilespmem:s28+$0x20]  }
0x76: {  	[tilespmem:s26+$0xFFFFFF00] =	vst v13;
	v11 =	vld [tilespmem:s28+$0xFFFFFE20]  }
0x77: {  	v13 =	vld [tilespmem:s28+$0xFFFFFF30];
	[tilespmem:s26+$0x150] =	vst v12  }
0x78: {  	v12 =	vld [tilespmem:s28+$0x140];
	[tilespmem:s25+$0xFFFFFE80] =	vst v10  }
0x79: {  	v10 =	vld [tilespmem:s31+$0xFFFFFFB0];
	[tilespmem:s25+$0x1F8] =	vst v8  }
0x7a: {  	v8 =	vld [tilespmem:s31+$0x1D0];
	[tilespmem:s26+$0x20] =	vst v9  }
0x7b: {  	[tilespmem:s26+$0xFFFFFDE0] =	vst v11;
	v9 =	vld [tilespmem:s28+$0x30]  }
0x7c: {  	[tilespmem:s26+$0xFFFFFF10] =	vst v13;
	v11 =	vld [tilespmem:s28+$0xFFFFFE30]  }
0x7d: {  	v13 =	vld [tilespmem:s28+$0xFFFFFF40];
	[tilespmem:s26+$0x168] =	vst v12  }
0x7e: {  	v12 =	vld [tilespmem:s28+$0x150];
	[tilespmem:s25+$0xFFFFFFA0] =	vst v10  }
0x7f: {  	v10 =	vld [tilespmem:s31+$0xB0];
	[tilespmem:s25+$0x208] =	vst v8  }
0x80: {  	v8 =	vld [tilespmem:s31+$0x1E0];
	[tilespmem:s26+$0x30] =	vst v9  }
0x81: {  	[tilespmem:s26+$0xFFFFFDF0] =	vst v11;
	v9 =	vld [tilespmem:s28+$0x40]  }
0x82: {  	[tilespmem:s26+$0xFFFFFF28] =	vst v13;
	v11 =	vld [tilespmem:s28+$0xFFFFFE40]  }
0x83: {  	v13 =	vld [tilespmem:s28+$0xFFFFFF50];
	[tilespmem:s26+$0x178] =	vst v12  }
0x84: {  	v12 =	vld [tilespmem:s28+$0x160];
	[tilespmem:s25+$0xC0] =	vst v10  }
0x85: {  	v10 =	vld [tilespmem:s31+$0xFFFFFEC0];
	[tilespmem:s25+$0x218] =	vst v8  }
0x86: {  	v8 =	vld [tilespmem:s31+$0x1F0];
	[tilespmem:s26+$0x48] =	vst v9  }
0x87: {  	[tilespmem:s26+$0xFFFFFE08] =	vst v11;
	v9 =	vld [tilespmem:s28+$0x50]  }
0x88: {  	[tilespmem:s26+$0xFFFFFF38] =	vst v13;
	v11 =	vld [tilespmem:s28+$0xFFFFFE50]  }
0x89: {  	v13 =	vld [tilespmem:s28+$0xFFFFFF60];
	[tilespmem:s26+$0x188] =	vst v12  }
0x8a: {  	v12 =	vld [tilespmem:s28+$0x170];
	[tilespmem:s25+$0xFFFFFE98] =	vst v10  }
0x8b: {  	v10 =	vld [tilespmem:s31+$0xC0];
	[tilespmem:s25+$0x228] =	vst v8  }
0x8c: {  	v8 =	vld [tilespmem:s31+$0xFFFFFFC0];
	[tilespmem:s26+$0x58] =	vst v9  }
0x8d: {  	[tilespmem:s26+$0xFFFFFE18] =	vst v11;
	v9 =	vld [tilespmem:s28+$0x60]  }
0x8e: {  	[tilespmem:s26+$0xFFFFFF48] =	vst v13;
	v11 =	vld [tilespmem:s28+$0xFFFFFE60]  }
0x8f: {  	v13 =	vld [tilespmem:s28+$0xFFFFFF70];
	[tilespmem:s26+$0x198] =	vst v12  }
0x90: {  	v12 =	vld [tilespmem:s28+$0x180];
	[tilespmem:s25+$0xD8] =	vst v10  }
0x91: {  	[tilespmem:s25+$0xFFFFFFB8] =	vst v8;
	v8 =	vld [tilespmem:s31+$0xFFFFFED0]  }
0x92: {  	v10 =	vld [tilespmem:s31+$0xFFFFFFD0];
	[tilespmem:s26+$0x68] =	vst v9  }
0x93: {  	[tilespmem:s26+$0xFFFFFE28] =	vst v11;
	v9 =	vld [tilespmem:s28+$0x70]  }
0x94: {  	[tilespmem:s26+$0xFFFFFF58] =	vst v13;
	v11 =	vld [tilespmem:s28+$0xFFFFFE70]  }
0x95: {  	v13 =	vld [tilespmem:s28+$0xFFFFFF80];
	[tilespmem:s26+$0x1B0] =	vst v12  }
0x96: {  	[tilespmem:s25+$0xFFFFFEA8] =	vst v8;
	v8 =	vld [tilespmem:s31+$0xD0]  }
0x97: {  	v12 =	vld [tilespmem:s28+$0x190];
	[tilespmem:s25+$0xFFFFFFC8] =	vst v10  }
0x98: {  	v10 =	vld [tilespmem:s31+$0xFFFFFEE0];
	[tilespmem:s26+$0x78] =	vst v9  }
0x99: {  	[tilespmem:s26+$0xFFFFFE38] =	vst v11;
	v9 =	vld [tilespmem:s28+$0x80]  }
0x9a: {  	[tilespmem:s26+$0xFFFFFF70] =	vst v13;
	v11 =	vld [tilespmem:s28+$0xFFFFFE80]  }
0x9b: {  	[tilespmem:s25+$0xE8] =	vst v8;
	v8 =	vld [tilespmem:s31+$0xFFFFFFE0]  }
0x9c: {  	v13 =	vld [tilespmem:s28+$0xFFFFFF90];
	[tilespmem:s26+$0x1C0] =	vst v12  }
0x9d: {  	[tilespmem:s25+$0xFFFFFEB8] =	vst v10;
	v10 =	vld [tilespmem:s31+$0xE0]  }
0x9e: {  	[tilespmem:s26+$0x90] =	vst v9;
	v9 =	vld [tilespmem:s31+$0xFFFFFEF0]  }
0x9f: {  	[tilespmem:s26+$0xFFFFFE50] =	vst v11;
	v14 =	vld [tilespmem:s28+$0x90]  }
0xa0: {  	v15 =	vld [tilespmem:s28+$0xFFFFFE90];
	[tilespmem:s25+$0xFFFFFFD8] =	vst v8  }
0xa1: {  	[tilespmem:s26+$0xFFFFFF80] =	vst v13;
	v8 =	vld [tilespmem:s31+$0xFFFFFFF0]  }
0xa2: {  	v11 =	vld [tilespmem:s28+$0x1A0];
	[tilespmem:s25+$0xF8] =	vst v10  }
0xa3: {  	v10 =	vld [tilespmem:s28+$0xFFFFFFA0];
	[tilespmem:s25+$0xFFFFFEC8] =	vst v9  }
0xa4: {  	v9 =	vld [tilespmem:s31+$0xF0];
	[tilespmem:s26+$0xA0] =	vst v14  }
0xa5: {  	s24 =	sshll.u32 s22, $0x1;
	s1 =	simm.s32 $0x6E00;
	s0 =	simm.s32 $0x4;
	[tilespmem:s26+$0xFFFFFE60] =	vst v15;
	v12 =	vld [tilespmem:s28+$0xA0]  }
.LBB2_3:
0xa6: {  	v13 =	vld [tilespmem:s1+$0x100];
	s0 =	sadd.s32 $0x4, s0;
	[tilespmem:s25+$0xFFFFFFE8] =	vst v8  }
0xa7: {  	v8 =	vld [tilespmem:s1+$0xFFFFFF00];
	p1 =	slt.u32 s0, $0x1C;
	[tilespmem:s26+$0x1D0] =	vst v11  }
0xa8: {  	[tilespmem:s26+$0xFFFFFF90] =	vst v10;
	v10 =	vld [tilespmem:s28+$0x1B0]  }
0xa9: {  	v11 =	vld [tilespmem:s1+$0x0];
	[tilespmem:s25+$0x108] =	vst v9;
	s25 =	smov.u32 s26  }
0xaa: {  	s26 =	sadd.s32 $0x480, s26;
	v9 =	vld [tilespmem:s1+$0xFFFFFE00];
	[tilespmem:s25+$0xB0] =	vst v12  }
0xab: {  	[tilespmem:s26+$0x120] =	vst v13;
	v12 =	vld [tilespmem:s28+$0xFFFFFEA0]  }
0xac: {  	[tilespmem:s26+$0xFFFFFEE0] =	vst v8;
	v8 =	vld [tilespmem:s1+$0x110]  }
0xad: {  	v13 =	vld [tilespmem:s1+$0xFFFFFF10];
	[tilespmem:s25+$0x1E0] =	vst v10  }
0xae: {  	[tilespmem:s26+$0x0] =	vst v11;
	v10 =	vld [tilespmem:s28+$0x1C0]  }
0xaf: {  	[tilespmem:s26+$0xFFFFFDC0] =	vst v9;
	v9 =	vld [tilespmem:s1+$0x10]  }
0xb0: {  	v11 =	vld [tilespmem:s1+$0xFFFFFE10];
	[tilespmem:s25+$0xFFFFFE70] =	vst v12  }
0xb1: {  	[tilespmem:s26+$0x130] =	vst v8;
	v8 =	vld [tilespmem:s28+$0xFFFFFEB0]  }
0xb2: {  	[tilespmem:s26+$0xFFFFFEF0] =	vst v13;
	v12 =	vld [tilespmem:s1+$0x120]  }
0xb3: {  	v13 =	vld [tilespmem:s1+$0xFFFFFF20];
	[tilespmem:s25+$0x1F8] =	vst v10  }
0xb4: {  	[tilespmem:s26+$0x10] =	vst v9;
	v9 =	vld [tilespmem:s28+$0x1D0]  }
0xb5: {  	[tilespmem:s26+$0xFFFFFDD0] =	vst v11;
	v10 =	vld [tilespmem:s1+$0x20]  }
0xb6: {  	v11 =	vld [tilespmem:s1+$0xFFFFFE20];
	[tilespmem:s25+$0xFFFFFE80] =	vst v8  }
0xb7: {  	[tilespmem:s26+$0x140] =	vst v12;
	v8 =	vld [tilespmem:s28+$0xFFFFFFB0]  }
0xb8: {  	[tilespmem:s26+$0xFFFFFF00] =	vst v13;
	v12 =	vld [tilespmem:s1+$0x130]  }
0xb9: {  	v13 =	vld [tilespmem:s1+$0xFFFFFF30];
	[tilespmem:s25+$0x208] =	vst v9  }
0xba: {  	[tilespmem:s26+$0x20] =	vst v10;
	v9 =	vld [tilespmem:s28+$0x1E0]  }
0xbb: {  	[tilespmem:s26+$0xFFFFFDE0] =	vst v11;
	v10 =	vld [tilespmem:s1+$0x30]  }
0xbc: {  	v11 =	vld [tilespmem:s1+$0xFFFFFE30];
	[tilespmem:s25+$0xFFFFFFA0] =	vst v8  }
0xbd: {  	[tilespmem:s26+$0x150] =	vst v12;
	v8 =	vld [tilespmem:s28+$0xB0]  }
0xbe: {  	[tilespmem:s26+$0xFFFFFF10] =	vst v13;
	v12 =	vld [tilespmem:s1+$0x140]  }
0xbf: {  	v13 =	vld [tilespmem:s1+$0xFFFFFF40];
	[tilespmem:s25+$0x218] =	vst v9  }
0xc0: {  	[tilespmem:s26+$0x30] =	vst v10;
	v9 =	vld [tilespmem:s28+$0x1F0]  }
0xc1: {  	[tilespmem:s26+$0xFFFFFDF0] =	vst v11;
	v10 =	vld [tilespmem:s1+$0x40]  }
0xc2: {  	v11 =	vld [tilespmem:s1+$0xFFFFFE40];
	[tilespmem:s25+$0xC0] =	vst v8  }
0xc3: {  	[tilespmem:s26+$0x168] =	vst v12;
	v8 =	vld [tilespmem:s28+$0xFFFFFEC0]  }
0xc4: {  	[tilespmem:s26+$0xFFFFFF28] =	vst v13;
	v12 =	vld [tilespmem:s1+$0x150]  }
0xc5: {  	v13 =	vld [tilespmem:s1+$0xFFFFFF50];
	[tilespmem:s25+$0x228] =	vst v9  }
0xc6: {  	[tilespmem:s26+$0x48] =	vst v10;
	v9 =	vld [tilespmem:s28+$0xFFFFFFC0]  }
0xc7: {  	[tilespmem:s26+$0xFFFFFE08] =	vst v11;
	v10 =	vld [tilespmem:s1+$0x50]  }
0xc8: {  	v11 =	vld [tilespmem:s1+$0xFFFFFE50];
	[tilespmem:s25+$0xFFFFFE98] =	vst v8  }
0xc9: {  	[tilespmem:s26+$0x178] =	vst v12;
	v8 =	vld [tilespmem:s28+$0xC0]  }
0xca: {  	[tilespmem:s26+$0xFFFFFF38] =	vst v13;
	v12 =	vld [tilespmem:s1+$0x160]  }
0xcb: {  	v13 =	vld [tilespmem:s1+$0xFFFFFF60];
	[tilespmem:s25+$0xFFFFFFB8] =	vst v9  }
0xcc: {  	[tilespmem:s26+$0x58] =	vst v10;
	v9 =	vld [tilespmem:s28+$0xFFFFFED0]  }
0xcd: {  	[tilespmem:s26+$0xFFFFFE18] =	vst v11;
	v10 =	vld [tilespmem:s1+$0x60]  }
0xce: {  	v11 =	vld [tilespmem:s1+$0xFFFFFE60];
	[tilespmem:s25+$0xD8] =	vst v8  }
0xcf: {  	[tilespmem:s26+$0x188] =	vst v12;
	v8 =	vld [tilespmem:s28+$0xFFFFFFD0]  }
0xd0: {  	[tilespmem:s26+$0xFFFFFF48] =	vst v13;
	v12 =	vld [tilespmem:s1+$0x170]  }
0xd1: {  	v13 =	vld [tilespmem:s1+$0xFFFFFF70];
	[tilespmem:s25+$0xFFFFFEA8] =	vst v9  }
0xd2: {  	[tilespmem:s26+$0x68] =	vst v10;
	v9 =	vld [tilespmem:s28+$0xD0]  }
0xd3: {  	[tilespmem:s26+$0xFFFFFE28] =	vst v11;
	v10 =	vld [tilespmem:s1+$0x70]  }
0xd4: {  	v11 =	vld [tilespmem:s1+$0xFFFFFE70];
	[tilespmem:s25+$0xFFFFFFC8] =	vst v8  }
0xd5: {  	[tilespmem:s26+$0x198] =	vst v12;
	v8 =	vld [tilespmem:s28+$0xFFFFFEE0]  }
0xd6: {  	[tilespmem:s26+$0xFFFFFF58] =	vst v13;
	v12 =	vld [tilespmem:s1+$0x180]  }
0xd7: {  	v13 =	vld [tilespmem:s1+$0xFFFFFF80];
	[tilespmem:s25+$0xE8] =	vst v9  }
0xd8: {  	[tilespmem:s26+$0x78] =	vst v10;
	v9 =	vld [tilespmem:s28+$0xFFFFFFE0]  }
0xd9: {  	[tilespmem:s26+$0xFFFFFE38] =	vst v11;
	v10 =	vld [tilespmem:s1+$0x80]  }
0xda: {  	v11 =	vld [tilespmem:s1+$0xFFFFFE80];
	[tilespmem:s25+$0xFFFFFEB8] =	vst v8  }
0xdb: {  	[tilespmem:s26+$0x1B0] =	vst v12;
	v8 =	vld [tilespmem:s28+$0xE0]  }
0xdc: {  	[tilespmem:s26+$0xFFFFFF70] =	vst v13;
	v12 =	vld [tilespmem:s1+$0x190]  }
0xdd: {  	v13 =	vld [tilespmem:s1+$0xFFFFFF90];
	[tilespmem:s25+$0xFFFFFFD8] =	vst v9  }
0xde: {  	[tilespmem:s26+$0x90] =	vst v10;
	v9 =	vld [tilespmem:s28+$0xFFFFFEF0]  }
0xdf: {  	[tilespmem:s26+$0xFFFFFE50] =	vst v11;
	v14 =	vld [tilespmem:s1+$0x90]  }
0xe0: {  	v15 =	vld [tilespmem:s1+$0xFFFFFE90];
	[tilespmem:s25+$0xF8] =	vst v8  }
.Ltmp2:
0xe1: {  	[tilespmem:s26+$0x1C0] =	vst v12;
	v8 =	vld [tilespmem:s28+$0xFFFFFFF0];
	(pc) =	sbr.rel @p1 .LBB2_3-.Ltmp2, $4  }
0xe2: {  	[tilespmem:s26+$0xFFFFFF80] =	vst v13;
	v11 =	vld [tilespmem:s1+$0x1A0]  }
0xe3: {  	v10 =	vld [tilespmem:s1+$0xFFFFFFA0];
	[tilespmem:s25+$0xFFFFFEC8] =	vst v9  }
0xe4: {  	[tilespmem:s26+$0xA0] =	vst v14;
	v9 =	vld [tilespmem:s28+$0xF0];
	s28 =	smov.u32 s1  }
0xe5: {  	s1 =	sadd.s32 $0x400, s1;
	[tilespmem:s26+$0xFFFFFE60] =	vst v15;
	v12 =	vld [tilespmem:s28+$0xA0]  }
0xe6: {  	v13 =	vld [tilespmem:s28+$0xFFFFFEA0];
	_ =	sdelay $0x1  }
0xe7: {  	[tilespmem:s26+$0x1D0] =	vst v11  }
0xe8: {  	v11 =	vld [tilespmem:s28+$0x1B0];
	[tilespmem:s26+$0xFFFFFF90] =	vst v10  }
0xe9: {  	[tilespmem:s26+$0xB0] =	vst v12;
	v12 =	vld [tilespmem:s28+$0xFFFFFFB0]  }
0xea: {  	[tilespmem:s26+$0xFFFFFE70] =	vst v13;
	v13 =	vld [tilespmem:s28+$0xB0]  }
0xeb: {  	v10 =	vld [tilespmem:s28+$0xFFFFFEB0];
	_ =	sdelay $0x1  }
0xec: {  	[tilespmem:s26+$0x1E0] =	vst v11  }
0xed: {  	v11 =	vld [tilespmem:s28+$0x1C0];
	[tilespmem:s26+$0xFFFFFFA0] =	vst v12  }
0xee: {  	[tilespmem:s26+$0xC0] =	vst v13;
	v12 =	vld [tilespmem:s28+$0xFFFFFFC0]  }
0xef: {  	[tilespmem:s26+$0xFFFFFE80] =	vst v10;
	v13 =	vld [tilespmem:s28+$0xC0]  }
0xf0: {  	v10 =	vld [tilespmem:s28+$0xFFFFFEC0];
	_ =	sdelay $0x1  }
0xf1: {  	[tilespmem:s26+$0x1F8] =	vst v11  }
0xf2: {  	v11 =	vld [tilespmem:s28+$0x1D0];
	[tilespmem:s26+$0xFFFFFFB8] =	vst v12  }
0xf3: {  	[tilespmem:s26+$0xD8] =	vst v13;
	v12 =	vld [tilespmem:s28+$0xFFFFFFD0]  }
0xf4: {  	[tilespmem:s26+$0xFFFFFE98] =	vst v10;
	v13 =	vld [tilespmem:s28+$0xD0]  }
0xf5: {  	v10 =	vld [tilespmem:s28+$0xFFFFFED0];
	_ =	sdelay $0x1  }
0xf6: {  	[tilespmem:s26+$0x208] =	vst v11  }
0xf7: {  	v11 =	vld [tilespmem:s28+$0x1E0];
	[tilespmem:s26+$0xFFFFFFC8] =	vst v12  }
0xf8: {  	[tilespmem:s26+$0xE8] =	vst v13;
	v12 =	vld [tilespmem:s28+$0xFFFFFFE0]  }
0xf9: {  	[tilespmem:s26+$0xFFFFFEA8] =	vst v10;
	v13 =	vld [tilespmem:s28+$0xE0]  }
0xfa: {  	v10 =	vld [tilespmem:s28+$0xFFFFFEE0];
	_ =	sdelay $0x1  }
0xfb: {  	[tilespmem:s26+$0x218] =	vst v11  }
0xfc: {  	v11 =	vld [tilespmem:s28+$0x1F0];
	[tilespmem:s26+$0xFFFFFFD8] =	vst v12  }
0xfd: {  	s30 =	simm.s32 $0x0;
	[tilespmem:s26+$0xF8] =	vst v13;
	v13 =	vld [tilespmem:s28+$0xFFFFFFF0]  }
0xfe: {  	s0 =	simm.s32 $0x1;
	[tilespmem:s26+$0xFFFFFEB8] =	vst v10;
	v10 =	vmov s30;
	v14 =	vld [tilespmem:s28+$0xF0]  }
0xff: {  	[tilespmem:s25+$0xFFFFFFE8] =	vst v8;
	v12 =	vld [tilespmem:s28+$0xFFFFFEF0];
	v8 =	vand.u32 $0x3C, v10;
	v10 =	vmov s0  }
0x100: {  	[tilespmem:s25+$0x108] =	vst v9;
	v9 =	vadd.s32 v0, v8;
	v10 =	vand.u32 $0x3D, v10  }
0x101: {  	p3 =	por $0x1, $0x1;
	[tilespmem:s26+$0x228] =	vst v11;
	v11 =	vadd.s32 v0, v10  }
.Ltmp3:
0x102: {  	[tilespmem:s26+$0xFFFFFFE8] =	vst v13;
	(pc) =	sbr.rel @!p3 .LBB2_5-.Ltmp3, $4  }
0x103: {  	[tilespmem:s26+$0x108] =	vst v14  }
0x104: {  	[tilespmem:s26+$0xFFFFFEC8] =	vst v12  }
0x105: {  	s8 =	simm.s32 $0x3;
	s1 =	simm.s32 $0x4;
	v9 =	vld.idx.msk [tilespmem:v9+s13+$0x0], $0xffff  }
0x106: {  	p1 =	por $0x0, $0x0;
	p2 =	por $0x0, $0x0;
	s25 =	simm.s32 $0x180;
	v14 =	vld.idx.msk [tilespmem:v11+s13+$0x0], $0xffff  }
0x107: {  	v11 =	vmov s8  }
0x108: {  	s0 =	simm.s32 $0x2;
	v17 =	vand.u32 $0x3F, v11  }
0x109: {  	v11 =	vmov s0;
	v12 =	vadd.s32 v0, v17  }
0x10a: {  	v11 =	vand.u32 $0x3E, v11  }
0x10b: {  	v13 =	vadd.s32 v0, v11;
	_ =	sdelay $0x2  }
0x10c: {  	v12 =	vld.idx.msk [tilespmem:v12+s13+$0x0], $0xffff  }
0x10d: {  	s3 =	simm.s32 $0x0;
	v15 =	vadd.s32 v1, v17  }
0x10e: {  	v16 =	vadd.s32 v1, v10;
	s26 =	sand.u32 $0x1C00, s3;
	v13 =	vld.idx.msk [tilespmem:v13+s13+$0x0], $0xffff  }
0x10f: {  	s6 =	simm.s32 $0x80;
	s29 =	sand.u32 $0x380, s25;
	s28 =	sadd.s32 $0xC800, s26;
	v18 =	vadd.s32 v1, v11  }
0x110: {  	s7 =	simm.s32 $0x100;
	s6 =	sand.u32 $0x280, s6;
	s0 =	sor.u32 s29, s28  }
0x111: {  	v19 =	vadd.s32 v1, v8;
	s7 =	sand.u32 $0x300, s7;
	s6 =	sor.u32 s6, s28;
	[tilespmem:s0+$0x0] =	vst v12  }
0x112: {  	s7 =	sor.u32 s7, s28;
	[tilespmem:s6+$0x0] =	vst v14;
	v12 =	vld.idx.msk [tilespmem:v15+s13+$0x0], $0xffff  }
0x113: {  	s3 =	sand.u32 $0x200, s3;
	v14 =	vld.idx.msk [tilespmem:v16+s13+$0x0], $0xffff;
	[tilespmem:s7+$0x0] =	vst v13;
	v15 =	vadd.s32 v2, v17  }
0x114: {  	s3 =	sor.u32 s3, s28;
	v16 =	vld.idx.msk [tilespmem:v18+s13+$0x0], $0xffff;
	v18 =	vadd.s32 v2, v10  }
0x115: {  	[tilespmem:s3+$0x0] =	vst v9  }
0x116: {  	v9 =	vadd.s32 v2, v11;
	v19 =	vld.idx.msk [tilespmem:v19+s13+$0x0], $0xffff;
	v13 =	vmov s1  }
0x117: {  	v20 =	vadd.s32 v2, v8;
	v13 =	vand.u32 $0x3C, v13;
	[tilespmem:s0+$0x10] =	vst v12  }
0x118: {  	s31 =	simm.s32 $0x5;
	[tilespmem:s6+$0x10] =	vst v14;
	v21 =	vadd.s32 v0, v13;
	v14 =	vld.idx.msk [tilespmem:v15+s13+$0x0], $0xffff  }
0x119: {  	v12 =	vmov s31;
	v15 =	vld.idx.msk [tilespmem:v18+s13+$0x0], $0xffff;
	[tilespmem:s7+$0x10] =	vst v16;
	v16 =	vadd.s32 v3, v17  }
0x11a: {  	v18 =	vadd.s32 v3, v10;
	v12 =	vand.u32 $0x3D, v12  }
0x11b: {  	[tilespmem:s3+$0x10] =	vst v19;
	v9 =	vld.idx.msk [tilespmem:v9+s13+$0x0], $0xffff;
	v24 =	vadd.s32 v0, v12  }
0x11c: {  	p3 =	por $0x1, $0x1;
	v23 =	vadd.s32 v3, v11;
	v20 =	vld.idx.msk [tilespmem:v20+s13+$0x0], $0xffff  }
.Ltmp4:
0x11d: {  	v19 =	vld.idx.msk [tilespmem:v21+s13+$0x0], $0xffff;
	[tilespmem:s0+$0x20] =	vst v14;
	(pc) =	sbr.rel @!p3 .LBB2_7-.Ltmp4, $4  }
0x11e: {  	[tilespmem:s6+$0x20] =	vst v15;
	v21 =	vld.idx.msk [tilespmem:v16+s13+$0x0], $0xffff  }
0x11f: {  	v22 =	vld.idx.msk [tilespmem:v18+s13+$0x0], $0xffff  }
0x120: {  	v25 =	vadd.s32 v3, v8;
	[tilespmem:s7+$0x20] =	vst v9;
	v14 =	vld.idx.msk [tilespmem:v24+s13+$0x0], $0xffff  }
0x121: {  	s8 =	simm.s32 $0x7;
	s30 =	simm.s32 $0x8;
	v27 =	vadd.s32 v4, v10;
	p1 =	por $0x1, $0x1;
	v26 =	vadd.s32 v4, v17;
	[tilespmem:s3+$0x20] =	vst v20;
	v23 =	vld.idx.msk [tilespmem:v23+s13+$0x0], $0xffff  }
0x122: {  	_ =	sdelay $0x1  }
0x123: {  	v9 =	vmov s8  }
0x124: {  	v18 =	vadd.s32 v4, v11;
	s1 =	simm.s32 $0x6;
	v15 =	vand.u32 $0x3F, v9  }
0x125: {  	v9 =	vld.idx.msk [tilespmem:v25+s13+$0x0], $0xffff;
	v16 =	vmov s1;
	v20 =	vadd.s32 v0, v15  }
0x126: {  	[tilespmem:s0+$0x30] =	vst v21;
	v21 =	vadd.s32 v4, v8;
	v16 =	vand.u32 $0x3E, v16  }
0x127: {  	[tilespmem:s6+$0x30] =	vst v22;
	v22 =	vld.idx.msk [tilespmem:v26+s13+$0x0], $0xffff;
	v24 =	vadd.s32 v0, v16  }
0x128: {  	v25 =	vld.idx.msk [tilespmem:v27+s13+$0x0], $0xffff;
	[tilespmem:s7+$0x30] =	vst v23;
	v23 =	vadd.s32 v5, v17  }
0x129: {  	v27 =	vadd.s32 v5, v10;
	v26 =	vld.idx.msk [tilespmem:v18+s13+$0x0], $0xffff;
	v18 =	vmov s30  }
0x12a: {  	[tilespmem:s3+$0x30] =	vst v9;
	v18 =	vand.u32 $0x3C, v18;
	v9 =	vadd.s32 v5, v11;
	v20 =	vld.idx.msk [tilespmem:v20+s13+$0x0], $0xffff  }
0x12b: {  	s8 =	simm.s32 $0x200;
	v28 =	vadd.s32 v0, v18;
	v21 =	vld.idx.msk [tilespmem:v21+s13+$0x0], $0xffff  }
0x12c: {  	s20 =	simm.s32 $0x280;
	s26 =	simm.s32 $0x300;
	s10 =	sand.u32 $0x1C00, s8;
	[tilespmem:s0+$0x40] =	vst v22;
	v22 =	vadd.s32 v1, v12;
	v24 =	vld.idx.msk [tilespmem:v24+s13+$0x0], $0xffff  }
0x12d: {  	s1 =	simm.s32 $0x380;
	s20 =	sand.u32 $0x280, s20;
	v29 =	vadd.s32 v1, v15;
	s10 =	sadd.s32 $0xC800, s10;
	[tilespmem:s6+$0x40] =	vst v25;
	v23 =	vld.idx.msk [tilespmem:v23+s13+$0x0], $0xffff  }
0x12e: {  	s26 =	sand.u32 $0x300, s26;
	s8 =	sand.u32 $0x200, s8;
	s28 =	sor.u32 s20, s10;
	v25 =	vadd.s32 v1, v16;
	v27 =	vld.idx.msk [tilespmem:v27+s13+$0x0], $0xffff;
	[tilespmem:s7+$0x40] =	vst v26  }
0x12f: {  	v30 =	vadd.s32 v6, v17;
	s21 =	sand.u32 $0x380, s1;
	s29 =	sor.u32 s26, s10;
	s26 =	sor.u32 s8, s10;
	[tilespmem:s28+$0x0] =	vst v14;
	v26 =	vld.idx.msk [tilespmem:v9+s13+$0x0], $0xffff  }
0x130: {  	s31 =	sor.u32 s21, s10;
	[tilespmem:s26+$0x0] =	vst v19;
	v9 =	vld.idx.msk [tilespmem:v28+s13+$0x0], $0xffff;
	v28 =	vadd.s32 v1, v13  }
0x131: {  	[tilespmem:s31+$0x0] =	vst v20;
	v20 =	vadd.s32 v5, v8;
	v22 =	vld.idx.msk [tilespmem:v22+s13+$0x0], $0xffff  }
0x132: {  	v14 =	vld.idx.msk [tilespmem:v29+s13+$0x0], $0xffff;
	[tilespmem:s29+$0x0] =	vst v24;
	v24 =	vadd.s32 v6, v10  }
0x133: {  	v29 =	vadd.s32 v2, v15;
	v25 =	vld.idx.msk [tilespmem:v25+s13+$0x0], $0xffff;
	[tilespmem:s0+$0x50] =	vst v23  }
0x134: {  	v19 =	vadd.s32 v2, v12;
	[tilespmem:s3+$0x40] =	vst v21;
	v23 =	vld.idx.msk [tilespmem:v30+s13+$0x0], $0xffff  }
0x135: {  	[tilespmem:s6+$0x50] =	vst v27;
	v30 =	vadd.s32 v2, v16;
	v28 =	vld.idx.msk [tilespmem:v28+s13+$0x0], $0xffff  }
0x136: {  	v17 =	vadd.s32 v7, v17;
	v21 =	vld.idx.msk [tilespmem:v20+s13+$0x0], $0xffff;
	[tilespmem:s28+$0x10] =	vst v22  }
0x137: {  	v22 =	vadd.s32 v6, v11;
	[tilespmem:s31+$0x10] =	vst v14;
	v20 =	vld.idx.msk [tilespmem:v24+s13+$0x0], $0xffff  }
0x138: {  	v27 =	vadd.s32 v2, v13;
	v14 =	vld.idx.msk [tilespmem:v29+s13+$0x0], $0xffff  }
0x139: {  	v29 =	vld.idx.msk [tilespmem:v19+s13+$0x0], $0xffff;
	[tilespmem:s29+$0x10] =	vst v25;
	v25 =	vadd.s32 v3, v15  }
0x13a: {  	s21 =	simm.s32 $0x9;
	v24 =	vadd.s32 v6, v8;
	v30 =	vld.idx.msk [tilespmem:v30+s13+$0x0], $0xffff;
	[tilespmem:s0+$0x60] =	vst v23  }
0x13b: {  	[tilespmem:s7+$0x50] =	vst v26;
	v19 =	vmov s21;
	v23 =	vadd.s32 v3, v12;
	v17 =	vld.idx.msk [tilespmem:v17+s13+$0x0], $0xffff  }
0x13c: {  	v31 =	vadd.s32 v3, v16;
	v19 =	vand.u32 $0x3D, v19;
	[tilespmem:s26+$0x10] =	vst v28;
	v28 =	vld.idx.msk [tilespmem:v22+s13+$0x0], $0xffff  }
0x13d: {  	p3 =	por $0x1, $0x1;
	v32 =	vadd.s32 v0, v19;
	v27 =	vld.idx.msk [tilespmem:v27+s13+$0x0], $0xffff;
	[tilespmem:s31+$0x20] =	vst v14  }
.Ltmp5:
0x13e: {  	[tilespmem:s3+$0x50] =	vst v21;
	v21 =	vld.idx.msk [tilespmem:v25+s13+$0x0], $0xffff;
	v25 =	vadd.s32 v3, v13;
	(pc) =	sbr.rel @!p3 .LBB2_9-.Ltmp5, $4  }
0x13f: {  	v24 =	vld.idx.msk [tilespmem:v24+s13+$0x0], $0xffff;
	[tilespmem:s28+$0x20] =	vst v29;
	v29 =	vadd.s32 v7, v10  }
0x140: {  	v22 =	vld.idx.msk [tilespmem:v23+s13+$0x0], $0xffff;
	[tilespmem:s29+$0x20] =	vst v30;
	v30 =	vadd.s32 v7, v11  }
0x141: {  	v26 =	vadd.s32 v4, v15;
	v23 =	vld.idx.msk [tilespmem:v31+s13+$0x0], $0xffff;
	[tilespmem:s0+$0x70] =	vst v17  }
0x142: {  	p2 =	por $0x1, $0x1;
	s8 =	simm.s32 $0xB;
	v14 =	vld.idx.msk [tilespmem:v32+s13+$0x0], $0xffff;
	s0 =	simm.s32 $0xC;
	[tilespmem:s26+$0x20] =	vst v27;
	v27 =	vadd.s32 v4, v12  }
.LBB2_10:
0x143: {  	p3 =	slt.u32 s0, $0x3C;
	v10 =	vmov s8;
	v11 =	vld.idx.msk [tilespmem:v25+s13+$0x0], $0xffff;
	v17 =	vadd.s32 v4, v16;
	[tilespmem:s6+$0x60] =	vst v20  }
0x144: {  	s8 =	sadd.s32 $0x2, s30;
	v25 =	vadd.s32 v7, v8;
	v8 =	vmovc v13;
	v13 =	vmov v18;
	s30 =	smov.u32 s0;
	v20 =	vand.u32 $0x3F, v10;
	v29 =	vld.idx.msk [tilespmem:v29+s13+$0x0], $0xffff;
	[tilespmem:s7+$0x60] =	vst v28  }
0x145: {  	v10 =	vmov s8;
	v28 =	vadd.s32 v0, v20;
	[tilespmem:s31+$0x30] =	vst v21;
	v21 =	vld.idx.msk [tilespmem:v30+s13+$0x0], $0xffff  }
0x146: {  	v10 =	vand.u32 $0x3E, v10;
	v30 =	vadd.s32 v4, v8;
	[tilespmem:s28+$0x30] =	vst v22;
	v22 =	vld.idx.msk [tilespmem:v26+s13+$0x0], $0xffff  }
0x147: {  	v26 =	vadd.s32 v0, v10;
	v27 =	vld.idx.msk [tilespmem:v27+s13+$0x0], $0xffff;
	[tilespmem:s29+$0x30] =	vst v23  }
0x148: {  	v23 =	vadd.s32 v5, v15;
	v17 =	vld.idx.msk [tilespmem:v17+s13+$0x0], $0xffff;
	[tilespmem:s3+$0x60] =	vst v24  }
0x149: {  	v18 =	vmov s0;
	[tilespmem:s26+$0x30] =	vst v11;
	v11 =	vadd.s32 v5, v12;
	v24 =	vld.idx.msk [tilespmem:v25+s13+$0x0], $0xffff  }
0x14a: {  	v18 =	vand.u32 $0x3C, v18;
	v25 =	vld.idx.msk [tilespmem:v28+s13+$0x0], $0xffff;
	v28 =	vadd.s32 v5, v16;
	[tilespmem:s6+$0x70] =	vst v29;
	s6 =	smov.u32 s28  }
0x14b: {  	s1 =	sadd.s32 $0x200, s1;
	v29 =	vadd.s32 v0, v18;
	v30 =	vld.idx.msk [tilespmem:v30+s13+$0x0], $0xffff;
	[tilespmem:s7+$0x70] =	vst v21;
	s7 =	smov.u32 s29  }
0x14c: {  	s8 =	sadd.s32 $0xFFFFFE80, s1;
	s10 =	sadd.s32 $0xFFFFFF00, s1;
	s20 =	sadd.s32 $0xFFFFFF80, s1;
	v21 =	vld.idx.msk [tilespmem:v26+s13+$0x0], $0xffff;
	v26 =	vadd.s32 v1, v20;
	[tilespmem:s31+$0x40] =	vst v22  }
0x14d: {  	s21 =	sand.u32 $0x200, s8;
	s8 =	sand.u32 $0x1C00, s8;
	s10 =	sand.u32 $0x280, s10;
	v22 =	vadd.s32 v1, v19;
	[tilespmem:s6+$0x40] =	vst v27;
	v23 =	vld.idx.msk [tilespmem:v23+s13+$0x0], $0xffff  }
0x14e: {  	s20 =	sand.u32 $0x300, s20;
	s29 =	sadd.s32 $0xC800, s8;
	s8 =	sand.u32 $0x380, s1;
	v27 =	vadd.s32 v1, v10;
	v11 =	vld.idx.msk [tilespmem:v11+s13+$0x0], $0xffff;
	[tilespmem:s7+$0x40] =	vst v17  }
0x14f: {  	s21 =	sor.u32 s21, s29;
	s28 =	sor.u32 s10, s29;
	s8 =	sor.u32 s8, s29;
	v17 =	vld.idx.msk [tilespmem:v28+s13+$0x0], $0xffff;
	v28 =	vadd.s32 v6, v15;
	[tilespmem:s3+$0x70] =	vst v24  }
0x150: {  	s29 =	sor.u32 s20, s29;
	s3 =	smov.u32 s26;
	s26 =	smov.u32 s21;
	v24 =	vld.idx.msk [tilespmem:v29+s13+$0x0], $0xffff;
	v29 =	vadd.s32 v1, v13;
	[tilespmem:s8+$0x0] =	vst v25  }
0x151: {  	v25 =	vadd.s32 v5, v8;
	[tilespmem:s28+$0x0] =	vst v14;
	v14 =	vld.idx.msk [tilespmem:v26+s13+$0x0], $0xffff  }
0x152: {  	v22 =	vld.idx.msk [tilespmem:v22+s13+$0x0], $0xffff;
	[tilespmem:s29+$0x0] =	vst v21;
	v21 =	vadd.s32 v6, v12  }
0x153: {  	v26 =	vld.idx.msk [tilespmem:v27+s13+$0x0], $0xffff;
	v27 =	vadd.s32 v2, v20;
	[tilespmem:s31+$0x50] =	vst v23  }
0x154: {  	v23 =	vadd.s32 v2, v19;
	[tilespmem:s26+$0x0] =	vst v9;
	v28 =	vld.idx.msk [tilespmem:v28+s13+$0x0], $0xffff  }
0x155: {  	v31 =	vadd.s32 v2, v10;
	v29 =	vld.idx.msk [tilespmem:v29+s13+$0x0], $0xffff;
	[tilespmem:s3+$0x40] =	vst v30  }
0x156: {  	v9 =	vmov v24;
	v25 =	vld.idx.msk [tilespmem:v25+s13+$0x0], $0xffff;
	[tilespmem:s6+$0x50] =	vst v11;
	v11 =	vadd.s32 v7, v15;
	v15 =	vmov v20  }
0x157: {  	v24 =	vadd.s32 v2, v13;
	[tilespmem:s8+$0x10] =	vst v14;
	v20 =	vld.idx.msk [tilespmem:v21+s13+$0x0], $0xffff  }
0x158: {  	v21 =	vadd.s32 v6, v16;
	[tilespmem:s28+$0x10] =	vst v22;
	v14 =	vld.idx.msk [tilespmem:v27+s13+$0x0], $0xffff  }
0x159: {  	v22 =	vld.idx.msk [tilespmem:v23+s13+$0x0], $0xffff;
	[tilespmem:s29+$0x10] =	vst v26;
	v23 =	vadd.s32 v6, v8  }
0x15a: {  	s10 =	sadd.s32 $0x1, s0;
	v27 =	vadd.s32 v3, v15;
	v26 =	vld.idx.msk [tilespmem:v31+s13+$0x0], $0xffff;
	[tilespmem:s31+$0x60] =	vst v28  }
0x15b: {  	v30 =	vadd.s32 v3, v19;
	v28 =	vmov s10;
	[tilespmem:s26+$0x10] =	vst v29;
	v11 =	vld.idx.msk [tilespmem:v11+s13+$0x0], $0xffff  }
0x15c: {  	v33 =	vadd.s32 v3, v10;
	v31 =	vand.u32 $0x3D, v28;
	v32 =	vld.idx.msk [tilespmem:v24+s13+$0x0], $0xffff;
	[tilespmem:s7+$0x50] =	vst v17  }
0x15d: {  	v17 =	vadd.s32 v0, v31;
	[tilespmem:s3+$0x50] =	vst v25;
	v28 =	vld.idx.msk [tilespmem:v21+s13+$0x0], $0xffff  }
.Ltmp6:
0x15e: {  	v25 =	vadd.s32 v3, v13;
	[tilespmem:s8+$0x20] =	vst v14;
	v24 =	vld.idx.msk [tilespmem:v23+s13+$0x0], $0xffff;
	(pc) =	sbr.rel @p3 .LBB2_10-.Ltmp6, $4  }
0x15f: {  	v29 =	vadd.s32 v7, v12;
	v12 =	vmov v19;
	v19 =	vmov v31;
	[tilespmem:s28+$0x20] =	vst v22;
	v21 =	vld.idx.msk [tilespmem:v27+s13+$0x0], $0xffff  }
0x160: {  	v22 =	vld.idx.msk [tilespmem:v30+s13+$0x0], $0xffff;
	[tilespmem:s29+$0x20] =	vst v26;
	v30 =	vadd.s32 v7, v16;
	v16 =	vmov v10  }
0x161: {  	v26 =	vadd.s32 v4, v15;
	v23 =	vld.idx.msk [tilespmem:v33+s13+$0x0], $0xffff;
	[tilespmem:s31+$0x70] =	vst v11;
	s31 =	smov.u32 s8  }
0x162: {  	s0 =	sadd.s32 $0x4, s0;
	v27 =	vadd.s32 v4, v12;
	s8 =	sadd.s32 $0x3, s30;
	v14 =	vld.idx.msk [tilespmem:v17+s13+$0x0], $0xffff;
	[tilespmem:s26+$0x20] =	vst v32  }
0x163: {  	s21 =	smov.u32 s6  }
0x164: {  	v31 =	vmov v8;
	s10 =	smov.u32 s7;
	s20 =	smov.u32 s3;
	v11 =	vmov v16;
	s0 =	smov.u32 s31  }
0x165: {  	v16 =	vmovc v13;
	v8 =	vmovc v18;
	s6 =	smov.u32 s28;
	s7 =	smov.u32 s29;
	v17 =	vmov v15;
	s3 =	smov.u32 s26;
	v15 =	vmov v12;
	v10 =	vmov v19  }
.LBB2_12:
0x166: {  	_ =	sdelay $0x2  }
0x167: {  	[tilespmem:s21+$0x60] =	vst @p2 v20  }
0x168: {  	v18 =	vld.idx.msk @p1 [tilespmem:v25+s13+$0x0], $0xffff;
	[tilespmem:s10+$0x60] =	vst @p2 v28  }
0x169: {  	v12 =	vmov s8;
	v19 =	vadd.s32 @p1 v4, v11;
	s31 =	sadd.s32 $0x2, s30;
	[tilespmem:s0+$0x30] =	vst @p1 v21;
	v20 =	vld.idx.msk @p2 [tilespmem:v29+s13+$0x0], $0xffff  }
0x16a: {  	[tilespmem:s7+$0x30] =	vst @p1 v23;
	v23 =	vadd.s32 @p2 v7, v31;
	v13 =	vand.u32 $0x3F, v12;
	v57 =	vmov s31;
	v21 =	vld.idx.msk @p2 [tilespmem:v30+s13+$0x0], $0xffff  }
0x16b: {  	[tilespmem:s6+$0x30] =	vst @p1 v22;
	v22 =	vld.idx.msk @p1 [tilespmem:v26+s13+$0x0], $0xffff;
	v58 =	vadd.s32 v0, v13;
	v12 =	vand.u32 $0x3E, v57  }
0x16c: {  	[tilespmem:s20+$0x60] =	vst @p2 v24;
	s1 =	sadd.s32 @p1 $0x200, s1;
	v27 =	vld.idx.msk @p1 [tilespmem:v27+s13+$0x0], $0xffff;
	v59 =	vadd.s32 v0, v12  }
0x16d: {  	v24 =	vadd.s32 @p1 v4, v16;
	s25 =	smov.u32 @p1 s1;
	[tilespmem:s3+$0x30] =	vst @p1 v18  }
0x16e: {  	s8 =	sadd.s32 $0xFFFFFE80, s25;
	v19 =	vld.idx.msk @p1 [tilespmem:v19+s13+$0x0], $0xffff;
	v18 =	vadd.s32 @p1 v5, v17;
	[tilespmem:s21+$0x70] =	vst @p2 v20  }
0x16f: {  	v62 =	vadd.s32 v1, v10;
	v23 =	vld.idx.msk @p2 [tilespmem:v23+s13+$0x0], $0xffff;
	[tilespmem:s10+$0x70] =	vst @p2 v21;
	s10 =	sand.u32 $0x1C00, s8;
	s21 =	sadd.s32 $0xFFFFFF00, s25  }
0x170: {  	s28 =	smov.u32 @p1 s6;
	v30 =	vadd.s32 v1, v8;
	[tilespmem:s0+$0x40] =	vst @p1 v22;
	v25 =	vld.idx.msk [tilespmem:v58+s13+$0x0], $0xffff;
	s29 =	sadd.s32 $0xC800, s10;
	s6 =	sand.u32 $0x280, s21  }
0x171: {  	v60 =	vadd.s32 v1, v13;
	[tilespmem:s28+$0x40] =	vst @p1 v27;
	s8 =	sand.u32 $0x200, s8;
	v61 =	vld.idx.msk [tilespmem:v59+s13+$0x0], $0xffff;
	s6 =	sor.u32 s6, s29  }
0x172: {  	v63 =	vadd.s32 v1, v12;
	v24 =	vld.idx.msk @p1 [tilespmem:v24+s13+$0x0], $0xffff;
	s21 =	sor.u32 s8, s29;
	[tilespmem:s6+$0x0] =	vst v14  }
0x173: {  	s26 =	smov.u32 @p1 s7;
	s30 =	sand.u32 $0x380, s25;
	s31 =	sadd.s32 $0xFFFFFF80, s25;
	v27 =	vadd.s32 @p1 v5, v15;
	[tilespmem:s21+$0x0] =	vst v9;
	v18 =	vld.idx.msk @p1 [tilespmem:v18+s13+$0x0], $0xffff  }
0x174: {  	s7 =	sand.u32 $0x300, s31;
	s1 =	sor.u32 s30, s29;
	v14 =	vadd.s32 @p1 v5, v16;
	[tilespmem:s26+$0x40] =	vst @p1 v19;
	v32 =	vld.idx.msk [tilespmem:v62+s13+$0x0], $0xffff  }
0x175: {  	v35 =	vadd.s32 v2, v10;
	s7 =	sor.u32 s7, s29;
	v19 =	vld.idx.msk [tilespmem:v30+s13+$0x0], $0xffff;
	[tilespmem:s1+$0x0] =	vst v25  }
0x176: {  	v37 =	vadd.s32 v2, v8;
	v31 =	vld.idx.msk [tilespmem:v60+s13+$0x0], $0xffff;
	[tilespmem:s7+$0x0] =	vst v61  }
0x177: {  	v33 =	vadd.s32 v2, v13;
	[tilespmem:s3+$0x40] =	vst @p1 v24;
	v34 =	vld.idx.msk [tilespmem:v63+s13+$0x0], $0xffff  }
0x178: {  	v36 =	vadd.s32 v2, v12;
	v26 =	vld.idx.msk @p1 [tilespmem:v27+s13+$0x0], $0xffff;
	[tilespmem:s0+$0x50] =	vst @p1 v18  }
0x179: {  	v27 =	vadd.s32 @p1 v6, v17;
	v14 =	vld.idx.msk @p1 [tilespmem:v14+s13+$0x0], $0xffff;
	[tilespmem:s6+$0x10] =	vst v32  }
0x17a: {  	v25 =	vadd.s32 @p1 v5, v11;
	[tilespmem:s21+$0x10] =	vst v19;
	v9 =	vld.idx.msk [tilespmem:v35+s13+$0x0], $0xffff  }
0x17b: {  	v40 =	vadd.s32 v3, v10;
	v18 =	vld.idx.msk [tilespmem:v37+s13+$0x0], $0xffff;
	[tilespmem:s1+$0x10] =	vst v31  }
0x17c: {  	v42 =	vadd.s32 v3, v8;
	v38 =	vld.idx.msk [tilespmem:v33+s13+$0x0], $0xffff;
	[tilespmem:s7+$0x10] =	vst v34  }
0x17d: {  	v39 =	vadd.s32 v3, v13;
	[tilespmem:s20+$0x70] =	vst @p2 v23;
	v22 =	vld.idx.msk [tilespmem:v36+s13+$0x0], $0xffff  }
0x17e: {  	v41 =	vadd.s32 v3, v12;
	v24 =	vld.idx.msk @p1 [tilespmem:v27+s13+$0x0], $0xffff;
	[tilespmem:s28+$0x50] =	vst @p1 v26  }
0x17f: {  	v17 =	vadd.s32 @p1 v7, v17;
	v25 =	vld.idx.msk @p1 [tilespmem:v25+s13+$0x0], $0xffff;
	[tilespmem:s6+$0x20] =	vst v9  }
0x180: {  	v26 =	vadd.s32 @p1 v6, v11;
	[tilespmem:s21+$0x20] =	vst v18;
	v19 =	vld.idx.msk [tilespmem:v40+s13+$0x0], $0xffff  }
0x181: {  	v46 =	vadd.s32 v4, v10;
	v47 =	vld.idx.msk [tilespmem:v42+s13+$0x0], $0xffff;
	[tilespmem:s1+$0x20] =	vst v38  }
0x182: {  	v49 =	vadd.s32 v4, v8;
	v43 =	vld.idx.msk [tilespmem:v39+s13+$0x0], $0xffff;
	[tilespmem:s7+$0x20] =	vst v22  }
0x183: {  	v44 =	vadd.s32 v4, v13;
	[tilespmem:s0+$0x60] =	vst @p1 v24;
	v45 =	vld.idx.msk [tilespmem:v41+s13+$0x0], $0xffff  }
0x184: {  	v48 =	vadd.s32 v4, v12;
	[tilespmem:s26+$0x50] =	vst @p1 v25;
	v17 =	vld.idx.msk @p1 [tilespmem:v17+s13+$0x0], $0xffff  }
0x185: {  	v27 =	vadd.s32 @p1 v6, v15;
	v25 =	vld.idx.msk @p1 [tilespmem:v26+s13+$0x0], $0xffff;
	[tilespmem:s6+$0x30] =	vst v19  }
0x186: {  	v9 =	vadd.s32 @p1 v6, v16;
	[tilespmem:s21+$0x30] =	vst v47;
	v18 =	vld.idx.msk [tilespmem:v46+s13+$0x0], $0xffff  }
0x187: {  	v52 =	vadd.s32 v5, v10;
	v54 =	vld.idx.msk [tilespmem:v49+s13+$0x0], $0xffff;
	[tilespmem:s1+$0x30] =	vst v43  }
0x188: {  	v55 =	vadd.s32 v5, v8;
	v50 =	vld.idx.msk [tilespmem:v44+s13+$0x0], $0xffff;
	[tilespmem:s7+$0x30] =	vst v45  }
0x189: {  	v51 =	vadd.s32 v5, v13;
	[tilespmem:s3+$0x50] =	vst @p1 v14;
	v21 =	vld.idx.msk [tilespmem:v48+s13+$0x0], $0xffff  }
0x18a: {  	v53 =	vadd.s32 v5, v12;
	v24 =	vld.idx.msk @p1 [tilespmem:v27+s13+$0x0], $0xffff;
	[tilespmem:s0+$0x70] =	vst @p1 v17  }
0x18b: {  	v15 =	vadd.s32 @p1 v7, v15;
	v9 =	vld.idx.msk @p1 [tilespmem:v9+s13+$0x0], $0xffff;
	[tilespmem:s6+$0x40] =	vst v18  }
0x18c: {  	v15 =	vpsel p1, v15, v0;
	[tilespmem:s21+$0x40] =	vst v54;
	v57 =	vld.idx.msk [tilespmem:v52+s13+$0x0], $0xffff  }
0x18d: {  	v59 =	vadd.s32 v6, v10;
	v17 =	vld.idx.msk [tilespmem:v55+s13+$0x0], $0xffff;
	[tilespmem:s1+$0x40] =	vst v50  }
0x18e: {  	s8 =	smov.u32 @p1 s26;
	v61 =	vadd.s32 v6, v8;
	v23 =	vpsel p1, v25, v0;
	v56 =	vld.idx.msk [tilespmem:v51+s13+$0x0], $0xffff;
	[tilespmem:s7+$0x40] =	vst v21  }
0x18f: {  	v58 =	vadd.s32 v6, v13;
	s0 =	smov.u32 @p1 s28;
	[tilespmem:s8+$0x60] =	vst @p1 v23;
	v21 =	vpsel p1, v24, v0;
	v14 =	vld.idx.msk [tilespmem:v53+s13+$0x0], $0xffff  }
0x190: {  	v60 =	vadd.s32 v6, v12;
	v11 =	vadd.s32 @p1 v7, v11;
	[tilespmem:s0+$0x60] =	vst @p1 v21  }
0x191: {  	v11 =	vpsel p1, v11, v0;
	v16 =	vpsel p1, v16, v0;
	v15 =	vld.idx.msk @p1 [tilespmem:v15+s13+$0x0], $0xffff;
	[tilespmem:s6+$0x50] =	vst v57  }
0x192: {  	v16 =	vadd.s32 @p1 v7, v16;
	[tilespmem:s21+$0x50] =	vst v17;
	v19 =	vld.idx.msk [tilespmem:v59+s13+$0x0], $0xffff  }
0x193: {  	v62 =	vadd.s32 v7, v10;
	v63 =	vld.idx.msk [tilespmem:v61+s13+$0x0], $0xffff;
	[tilespmem:s1+$0x50] =	vst v56  }
0x194: {  	v8 =	vadd.s32 v7, v8;
	s3 =	smov.u32 @p1 s3;
	v9 =	vpsel p1, v9, v0;
	v18 =	vld.idx.msk [tilespmem:v58+s13+$0x0], $0xffff;
	[tilespmem:s7+$0x50] =	vst v14  }
0x195: {  	v13 =	vadd.s32 v7, v13;
	[tilespmem:s3+$0x60] =	vst @p1 v9;
	v14 =	vld.idx.msk [tilespmem:v60+s13+$0x0], $0xffff  }
0x196: {  	v12 =	vadd.s32 v7, v12;
	v11 =	vld.idx.msk @p1 [tilespmem:v11+s13+$0x0], $0xffff;
	[tilespmem:s0+$0x70] =	vst @p1 v15  }
0x197: {  	v15 =	vld.idx.msk @p1 [tilespmem:v16+s13+$0x0], $0xffff;
	[tilespmem:s6+$0x60] =	vst v19  }
0x198: {  	[tilespmem:s21+$0x60] =	vst v63;
	v10 =	vld.idx.msk [tilespmem:v62+s13+$0x0], $0xffff  }
0x199: {  	v8 =	vld.idx.msk [tilespmem:v8+s13+$0x0], $0xffff;
	[tilespmem:s1+$0x60] =	vst v18  }
0x19a: {  	s28 =	sadd.s32 s5, s24;
	v13 =	vld.idx.msk [tilespmem:v13+s13+$0x0], $0xffff;
	[tilespmem:s7+$0x60] =	vst v14  }
0x19b: {  	s29 =	sshrl.u32 s28, $0x7;
	[tilespmem:s8+$0x70] =	vst @p1 v11;
	v12 =	vld.idx.msk [tilespmem:v12+s13+$0x0], $0xffff  }
0x19c: {  	s30 =	sshll.u32 s29, $0x11;
	s0 =	sshll.u32 s28, $0xA;
	[tilespmem:s3+$0x70] =	vst @p1 v15;
	p1 =	sne.s32 s22, $0x63  }
.Ltmp7:
0x19d: {  	s31 =	sshll.u32 s29, $0x14;
	s0 =	ssub.s32 s0, s30;
	[tilespmem:s6+$0x70] =	vst v10;
	(pc) =	sbr.rel @p1 .LBB2_14-.Ltmp7, $4  }
0x19e: {  	s0 =	sadd.s32 s31, s0;
	[tilespmem:s21+$0x70] =	vst v8  }
0x19f: {  	s0 =	sshrl.u32 s0, $0x3;
	[tilespmem:s1+$0x70] =	vst v13  }
0x1a0: {  	s0 =	sadd.s32 s2, s0;
	[tilespmem:s7+$0x70] =	vst v12  }
0x1a1: {  	[hbm4b:s0+s14] =	stream.strided.scatter [tilespmem:s16], [sflag:$0x3], $0x2000, s15, s14, $0x38;
	[tilespmem:$0x10800] =	vst v63  }
.Ltmp8:
0x1a2: {  	(pc) =	sbr.rel .LBB2_15-.Ltmp8, $4  }
0x1a3: {  	_ = 	snop  }
0x1a4: {  	_ =	swait.ge [sflag:s17], $0x2000  }
0x1a5: {  	[sflag:s17] =	ssyncset.done $0x0  }
0x1a6: {  	[sflag:s17] =	ssyncadd.s32 $0xFFFFE000  }
.LBB2_14:
0x1a7: {  	s0 =	sshll.u32 s22, $0x8  }
0x1a8: {  	s0 =	sand.u32 $0x3FFFFF00, s0  }
.Ltmp9:
0x1a9: {  	s1 =	simm.s32 $0x6400;
	s0 =	sadd.s32 $0x100, s0;
	(pc) =	sbr.rel @p0 .LBB2_16-.Ltmp9, $4  }
0x1aa: {  	[tilespmem:s1], [sflag:$0x1] =	stream.indirect.gather [hbm4b:s4+s9], $0x40, s0, s9, $0xb8;
	[tilespmem:$0x10800] =	vst v63  }
0x1ab: {  	_ =	swait.ge [sflag:s17], $0x2000  }
0x1ac: {  	[sflag:s17] =	ssyncset.done $0x0  }
0x1ad: {  	[sflag:s17] =	ssyncadd.s32 $0xFFFFE000  }
.LBB2_15:
0x1ae: {  	_ =	swait.ge [sflag:s18], $0x2000  }
0x1af: {  	[sflag:s18] =	ssyncset.done $0x0  }
0x1b0: {  	[sflag:s18] =	ssyncadd.s32 $0xFFFFE000  }
.LBB2_16:
0x1b1: {  	s0 =	simm.s32 $0x8600  }
0x1b2: {  	v9 =	vld [tilespmem:s0+$0xFFFFFF00];
	_ =	sdelay $0x2  }
0x1b3: {  	v8 =	vld [tilespmem:s0+$0x100]  }
0x1b4: {  	s24 =	simm.s32 $0xA640;
	v10 =	vld [tilespmem:s0+$0x0]  }
0x1b5: {  	[tilespmem:s24+$0xFFFFFEE0] =	vst v9  }
0x1b6: {  	v9 =	vld [tilespmem:s0+$0xFFFFFF10]  }
0x1b7: {  	v11 =	vld [tilespmem:s0+$0xFFFFFE00]  }
0x1b8: {  	[tilespmem:s24+$0x120] =	vst v8  }
0x1b9: {  	[tilespmem:s24+$0x0] =	vst v10;
	v8 =	vld [tilespmem:s0+$0x110]  }
0x1ba: {  	v10 =	vld [tilespmem:s0+$0x10]  }
0x1bb: {  	[tilespmem:s24+$0xFFFFFEF0] =	vst v9  }
0x1bc: {  	[tilespmem:s24+$0xFFFFFDC0] =	vst v11;
	v9 =	vld [tilespmem:s0+$0xFFFFFF20]  }
0x1bd: {  	v11 =	vld [tilespmem:s0+$0xFFFFFE10]  }
0x1be: {  	[tilespmem:s24+$0x130] =	vst v8  }
0x1bf: {  	[tilespmem:s24+$0x10] =	vst v10;
	v8 =	vld [tilespmem:s0+$0x120]  }
0x1c0: {  	v10 =	vld [tilespmem:s0+$0x20]  }
0x1c1: {  	[tilespmem:s24+$0xFFFFFF00] =	vst v9  }
0x1c2: {  	[tilespmem:s24+$0xFFFFFDD0] =	vst v11;
	v9 =	vld [tilespmem:s0+$0xFFFFFF30]  }
0x1c3: {  	v11 =	vld [tilespmem:s0+$0xFFFFFE20]  }
0x1c4: {  	[tilespmem:s24+$0x140] =	vst v8  }
0x1c5: {  	[tilespmem:s24+$0x20] =	vst v10;
	v8 =	vld [tilespmem:s0+$0x130]  }
0x1c6: {  	v10 =	vld [tilespmem:s0+$0x30]  }
0x1c7: {  	[tilespmem:s24+$0xFFFFFF10] =	vst v9  }
0x1c8: {  	[tilespmem:s24+$0xFFFFFDE0] =	vst v11;
	v9 =	vld [tilespmem:s0+$0xFFFFFF40]  }
0x1c9: {  	v11 =	vld [tilespmem:s0+$0xFFFFFE30]  }
0x1ca: {  	[tilespmem:s24+$0x150] =	vst v8  }
0x1cb: {  	[tilespmem:s24+$0x30] =	vst v10;
	v8 =	vld [tilespmem:s0+$0x140]  }
0x1cc: {  	v10 =	vld [tilespmem:s0+$0x40]  }
0x1cd: {  	[tilespmem:s24+$0xFFFFFF28] =	vst v9  }
0x1ce: {  	[tilespmem:s24+$0xFFFFFDF0] =	vst v11;
	v9 =	vld [tilespmem:s0+$0xFFFFFF50]  }
0x1cf: {  	v11 =	vld [tilespmem:s0+$0xFFFFFE40]  }
0x1d0: {  	[tilespmem:s24+$0x168] =	vst v8  }
0x1d1: {  	[tilespmem:s24+$0x48] =	vst v10;
	v8 =	vld [tilespmem:s0+$0x150]  }
0x1d2: {  	v10 =	vld [tilespmem:s0+$0x50]  }
0x1d3: {  	[tilespmem:s24+$0xFFFFFF38] =	vst v9  }
0x1d4: {  	[tilespmem:s24+$0xFFFFFE08] =	vst v11;
	v9 =	vld [tilespmem:s0+$0xFFFFFF60]  }
0x1d5: {  	v11 =	vld [tilespmem:s0+$0xFFFFFE50]  }
0x1d6: {  	[tilespmem:s24+$0x178] =	vst v8  }
0x1d7: {  	[tilespmem:s24+$0x58] =	vst v10;
	v8 =	vld [tilespmem:s0+$0x160]  }
0x1d8: {  	v10 =	vld [tilespmem:s0+$0x60]  }
0x1d9: {  	[tilespmem:s24+$0xFFFFFF48] =	vst v9  }
0x1da: {  	[tilespmem:s24+$0xFFFFFE18] =	vst v11;
	v9 =	vld [tilespmem:s0+$0xFFFFFF70]  }
0x1db: {  	v11 =	vld [tilespmem:s0+$0xFFFFFE60]  }
0x1dc: {  	[tilespmem:s24+$0x188] =	vst v8  }
0x1dd: {  	[tilespmem:s24+$0x68] =	vst v10;
	v8 =	vld [tilespmem:s0+$0x170]  }
0x1de: {  	v10 =	vld [tilespmem:s0+$0x70]  }
0x1df: {  	[tilespmem:s24+$0xFFFFFF58] =	vst v9  }
0x1e0: {  	[tilespmem:s24+$0xFFFFFE28] =	vst v11;
	v9 =	vld [tilespmem:s0+$0xFFFFFF80]  }
0x1e1: {  	v11 =	vld [tilespmem:s0+$0xFFFFFE70]  }
0x1e2: {  	[tilespmem:s24+$0x198] =	vst v8  }
0x1e3: {  	[tilespmem:s24+$0x78] =	vst v10;
	v8 =	vld [tilespmem:s0+$0x180]  }
0x1e4: {  	v10 =	vld [tilespmem:s0+$0x80]  }
0x1e5: {  	[tilespmem:s24+$0xFFFFFF70] =	vst v9  }
0x1e6: {  	[tilespmem:s24+$0xFFFFFE38] =	vst v11;
	v9 =	vld [tilespmem:s0+$0xFFFFFF90]  }
0x1e7: {  	s26 =	simm.s32 $0x8A00;
	v11 =	vld [tilespmem:s0+$0xFFFFFE80]  }
0x1e8: {  	v12 =	vld [tilespmem:s26+$0x100];
	[tilespmem:s24+$0x1B0] =	vst v8  }
0x1e9: {  	[tilespmem:s24+$0x90] =	vst v10;
	v8 =	vld [tilespmem:s0+$0x190]  }
0x1ea: {  	v10 =	vld [tilespmem:s0+$0x90]  }
0x1eb: {  	v13 =	vld [tilespmem:s26+$0xFFFFFF00];
	[tilespmem:s24+$0xFFFFFF80] =	vst v9  }
0x1ec: {  	s25 =	simm.s32 $0xAAC0;
	[tilespmem:s24+$0xFFFFFE50] =	vst v11;
	v9 =	vld [tilespmem:s0+$0xFFFFFFA0]  }
0x1ed: {  	[tilespmem:s25+$0x120] =	vst v12;
	v11 =	vld [tilespmem:s0+$0xFFFFFE90]  }
0x1ee: {  	v12 =	vld [tilespmem:s26+$0x110];
	[tilespmem:s24+$0x1C0] =	vst v8  }
0x1ef: {  	[tilespmem:s24+$0xA0] =	vst v10;
	v8 =	vld [tilespmem:s0+$0x1A0]  }
0x1f0: {  	[tilespmem:s25+$0xFFFFFEE0] =	vst v13;
	v10 =	vld [tilespmem:s0+$0xA0]  }
0x1f1: {  	[tilespmem:s24+$0xFFFFFF90] =	vst v9;
	v9 =	vld [tilespmem:s26+$0x0]  }
0x1f2: {  	[tilespmem:s24+$0xFFFFFE60] =	vst v11;
	v11 =	vld [tilespmem:s26+$0xFFFFFE00]  }
0x1f3: {  	v13 =	vld [tilespmem:s26+$0xFFFFFF10];
	[tilespmem:s25+$0x130] =	vst v12  }
0x1f4: {  	v12 =	vld [tilespmem:s26+$0x120];
	[tilespmem:s24+$0x1D0] =	vst v8  }
0x1f5: {  	[tilespmem:s24+$0xB0] =	vst v10;
	v10 =	vld [tilespmem:s0+$0xFFFFFEA0]  }
0x1f6: {  	v8 =	vld [tilespmem:s0+$0x1B0];
	[tilespmem:s25+$0x0] =	vst v9  }
0x1f7: {  	[tilespmem:s25+$0xFFFFFDC0] =	vst v11;
	v9 =	vld [tilespmem:s26+$0x10]  }
0x1f8: {  	[tilespmem:s25+$0xFFFFFEF0] =	vst v13;
	v11 =	vld [tilespmem:s26+$0xFFFFFE10]  }
0x1f9: {  	v13 =	vld [tilespmem:s26+$0xFFFFFF20];
	[tilespmem:s25+$0x140] =	vst v12  }
0x1fa: {  	v12 =	vld [tilespmem:s26+$0x130];
	[tilespmem:s24+$0xFFFFFE70] =	vst v10  }
0x1fb: {  	[tilespmem:s24+$0x1E0] =	vst v8;
	v10 =	vld [tilespmem:s0+$0xFFFFFEB0]  }
0x1fc: {  	v8 =	vld [tilespmem:s0+$0x1C0];
	[tilespmem:s25+$0x10] =	vst v9  }
0x1fd: {  	[tilespmem:s25+$0xFFFFFDD0] =	vst v11;
	v9 =	vld [tilespmem:s26+$0x20]  }
0x1fe: {  	[tilespmem:s25+$0xFFFFFF00] =	vst v13;
	v11 =	vld [tilespmem:s26+$0xFFFFFE20]  }
0x1ff: {  	v13 =	vld [tilespmem:s26+$0xFFFFFF30];
	[tilespmem:s25+$0x150] =	vst v12  }
0x200: {  	v12 =	vld [tilespmem:s26+$0x140];
	[tilespmem:s24+$0xFFFFFE80] =	vst v10  }
0x201: {  	v10 =	vld [tilespmem:s0+$0xFFFFFFB0];
	[tilespmem:s24+$0x1F8] =	vst v8  }
0x202: {  	v8 =	vld [tilespmem:s0+$0x1D0];
	[tilespmem:s25+$0x20] =	vst v9  }
0x203: {  	[tilespmem:s25+$0xFFFFFDE0] =	vst v11;
	v9 =	vld [tilespmem:s26+$0x30]  }
0x204: {  	[tilespmem:s25+$0xFFFFFF10] =	vst v13;
	v11 =	vld [tilespmem:s26+$0xFFFFFE30]  }
0x205: {  	v13 =	vld [tilespmem:s26+$0xFFFFFF40];
	[tilespmem:s25+$0x168] =	vst v12  }
0x206: {  	v12 =	vld [tilespmem:s26+$0x150];
	[tilespmem:s24+$0xFFFFFFA0] =	vst v10  }
0x207: {  	v10 =	vld [tilespmem:s0+$0xB0];
	[tilespmem:s24+$0x208] =	vst v8  }
0x208: {  	v8 =	vld [tilespmem:s0+$0x1E0];
	[tilespmem:s25+$0x30] =	vst v9  }
0x209: {  	[tilespmem:s25+$0xFFFFFDF0] =	vst v11;
	v9 =	vld [tilespmem:s26+$0x40]  }
0x20a: {  	[tilespmem:s25+$0xFFFFFF28] =	vst v13;
	v11 =	vld [tilespmem:s26+$0xFFFFFE40]  }
0x20b: {  	v13 =	vld [tilespmem:s26+$0xFFFFFF50];
	[tilespmem:s25+$0x178] =	vst v12  }
0x20c: {  	v12 =	vld [tilespmem:s26+$0x160];
	[tilespmem:s24+$0xC0] =	vst v10  }
0x20d: {  	v10 =	vld [tilespmem:s0+$0xFFFFFEC0];
	[tilespmem:s24+$0x218] =	vst v8  }
0x20e: {  	v8 =	vld [tilespmem:s0+$0x1F0];
	[tilespmem:s25+$0x48] =	vst v9  }
0x20f: {  	[tilespmem:s25+$0xFFFFFE08] =	vst v11;
	v9 =	vld [tilespmem:s26+$0x50]  }
0x210: {  	[tilespmem:s25+$0xFFFFFF38] =	vst v13;
	v11 =	vld [tilespmem:s26+$0xFFFFFE50]  }
0x211: {  	v13 =	vld [tilespmem:s26+$0xFFFFFF60];
	[tilespmem:s25+$0x188] =	vst v12  }
0x212: {  	v12 =	vld [tilespmem:s26+$0x170];
	[tilespmem:s24+$0xFFFFFE98] =	vst v10  }
0x213: {  	v10 =	vld [tilespmem:s0+$0xC0];
	[tilespmem:s24+$0x228] =	vst v8  }
0x214: {  	v8 =	vld [tilespmem:s0+$0xFFFFFFC0];
	[tilespmem:s25+$0x58] =	vst v9  }
0x215: {  	[tilespmem:s25+$0xFFFFFE18] =	vst v11;
	v9 =	vld [tilespmem:s26+$0x60]  }
0x216: {  	[tilespmem:s25+$0xFFFFFF48] =	vst v13;
	v11 =	vld [tilespmem:s26+$0xFFFFFE60]  }
0x217: {  	v13 =	vld [tilespmem:s26+$0xFFFFFF70];
	[tilespmem:s25+$0x198] =	vst v12  }
0x218: {  	v12 =	vld [tilespmem:s26+$0x180];
	[tilespmem:s24+$0xD8] =	vst v10  }
0x219: {  	[tilespmem:s24+$0xFFFFFFB8] =	vst v8;
	v8 =	vld [tilespmem:s0+$0xFFFFFED0]  }
0x21a: {  	v10 =	vld [tilespmem:s0+$0xFFFFFFD0];
	[tilespmem:s25+$0x68] =	vst v9  }
0x21b: {  	[tilespmem:s25+$0xFFFFFE28] =	vst v11;
	v9 =	vld [tilespmem:s26+$0x70]  }
0x21c: {  	[tilespmem:s25+$0xFFFFFF58] =	vst v13;
	v11 =	vld [tilespmem:s26+$0xFFFFFE70]  }
0x21d: {  	v13 =	vld [tilespmem:s26+$0xFFFFFF80];
	[tilespmem:s25+$0x1B0] =	vst v12  }
0x21e: {  	[tilespmem:s24+$0xFFFFFEA8] =	vst v8;
	v8 =	vld [tilespmem:s0+$0xD0]  }
0x21f: {  	v12 =	vld [tilespmem:s26+$0x190];
	[tilespmem:s24+$0xFFFFFFC8] =	vst v10  }
0x220: {  	v10 =	vld [tilespmem:s0+$0xFFFFFEE0];
	[tilespmem:s25+$0x78] =	vst v9  }
0x221: {  	[tilespmem:s25+$0xFFFFFE38] =	vst v11;
	v9 =	vld [tilespmem:s26+$0x80]  }
0x222: {  	[tilespmem:s25+$0xFFFFFF70] =	vst v13;
	v11 =	vld [tilespmem:s26+$0xFFFFFE80]  }
0x223: {  	[tilespmem:s24+$0xE8] =	vst v8;
	v8 =	vld [tilespmem:s0+$0xFFFFFFE0]  }
0x224: {  	v13 =	vld [tilespmem:s26+$0xFFFFFF90];
	[tilespmem:s25+$0x1C0] =	vst v12  }
0x225: {  	[tilespmem:s24+$0xFFFFFEB8] =	vst v10;
	v10 =	vld [tilespmem:s0+$0xE0]  }
0x226: {  	[tilespmem:s25+$0x90] =	vst v9;
	v9 =	vld [tilespmem:s0+$0xFFFFFEF0]  }
0x227: {  	[tilespmem:s25+$0xFFFFFE50] =	vst v11;
	v14 =	vld [tilespmem:s26+$0x90]  }
0x228: {  	v15 =	vld [tilespmem:s26+$0xFFFFFE90];
	[tilespmem:s24+$0xFFFFFFD8] =	vst v8  }
0x229: {  	[tilespmem:s25+$0xFFFFFF80] =	vst v13;
	v8 =	vld [tilespmem:s0+$0xFFFFFFF0]  }
0x22a: {  	v11 =	vld [tilespmem:s26+$0x1A0];
	[tilespmem:s24+$0xF8] =	vst v10  }
0x22b: {  	v10 =	vld [tilespmem:s26+$0xFFFFFFA0];
	[tilespmem:s24+$0xFFFFFEC8] =	vst v9  }
0x22c: {  	v9 =	vld [tilespmem:s0+$0xF0];
	[tilespmem:s25+$0xA0] =	vst v14  }
0x22d: {  	s1 =	simm.s32 $0x8E00;
	[tilespmem:s25+$0xFFFFFE60] =	vst v15;
	s0 =	simm.s32 $0x4;
	v12 =	vld [tilespmem:s26+$0xA0]  }
.LBB2_17:
0x22e: {  	v13 =	vld [tilespmem:s1+$0x100];
	s0 =	sadd.s32 $0x4, s0;
	[tilespmem:s24+$0xFFFFFFE8] =	vst v8  }
0x22f: {  	v8 =	vld [tilespmem:s1+$0xFFFFFF00];
	p0 =	slt.u32 s0, $0x1C;
	[tilespmem:s25+$0x1D0] =	vst v11  }
0x230: {  	[tilespmem:s25+$0xFFFFFF90] =	vst v10;
	v10 =	vld [tilespmem:s26+$0x1B0]  }
0x231: {  	v11 =	vld [tilespmem:s1+$0x0];
	[tilespmem:s24+$0x108] =	vst v9;
	s24 =	smov.u32 s25  }
0x232: {  	s25 =	sadd.s32 $0x480, s25;
	v9 =	vld [tilespmem:s1+$0xFFFFFE00];
	[tilespmem:s24+$0xB0] =	vst v12  }
0x233: {  	[tilespmem:s25+$0x120] =	vst v13;
	v12 =	vld [tilespmem:s26+$0xFFFFFEA0]  }
0x234: {  	[tilespmem:s25+$0xFFFFFEE0] =	vst v8;
	v8 =	vld [tilespmem:s1+$0x110]  }
0x235: {  	v13 =	vld [tilespmem:s1+$0xFFFFFF10];
	[tilespmem:s24+$0x1E0] =	vst v10  }
0x236: {  	[tilespmem:s25+$0x0] =	vst v11;
	v10 =	vld [tilespmem:s26+$0x1C0]  }
0x237: {  	[tilespmem:s25+$0xFFFFFDC0] =	vst v9;
	v9 =	vld [tilespmem:s1+$0x10]  }
0x238: {  	v11 =	vld [tilespmem:s1+$0xFFFFFE10];
	[tilespmem:s24+$0xFFFFFE70] =	vst v12  }
0x239: {  	[tilespmem:s25+$0x130] =	vst v8;
	v8 =	vld [tilespmem:s26+$0xFFFFFEB0]  }
0x23a: {  	[tilespmem:s25+$0xFFFFFEF0] =	vst v13;
	v12 =	vld [tilespmem:s1+$0x120]  }
0x23b: {  	v13 =	vld [tilespmem:s1+$0xFFFFFF20];
	[tilespmem:s24+$0x1F8] =	vst v10  }
0x23c: {  	[tilespmem:s25+$0x10] =	vst v9;
	v9 =	vld [tilespmem:s26+$0x1D0]  }
0x23d: {  	[tilespmem:s25+$0xFFFFFDD0] =	vst v11;
	v10 =	vld [tilespmem:s1+$0x20]  }
0x23e: {  	v11 =	vld [tilespmem:s1+$0xFFFFFE20];
	[tilespmem:s24+$0xFFFFFE80] =	vst v8  }
0x23f: {  	[tilespmem:s25+$0x140] =	vst v12;
	v8 =	vld [tilespmem:s26+$0xFFFFFFB0]  }
0x240: {  	[tilespmem:s25+$0xFFFFFF00] =	vst v13;
	v12 =	vld [tilespmem:s1+$0x130]  }
0x241: {  	v13 =	vld [tilespmem:s1+$0xFFFFFF30];
	[tilespmem:s24+$0x208] =	vst v9  }
0x242: {  	[tilespmem:s25+$0x20] =	vst v10;
	v9 =	vld [tilespmem:s26+$0x1E0]  }
0x243: {  	[tilespmem:s25+$0xFFFFFDE0] =	vst v11;
	v10 =	vld [tilespmem:s1+$0x30]  }
0x244: {  	v11 =	vld [tilespmem:s1+$0xFFFFFE30];
	[tilespmem:s24+$0xFFFFFFA0] =	vst v8  }
0x245: {  	[tilespmem:s25+$0x150] =	vst v12;
	v8 =	vld [tilespmem:s26+$0xB0]  }
0x246: {  	[tilespmem:s25+$0xFFFFFF10] =	vst v13;
	v12 =	vld [tilespmem:s1+$0x140]  }
0x247: {  	v13 =	vld [tilespmem:s1+$0xFFFFFF40];
	[tilespmem:s24+$0x218] =	vst v9  }
0x248: {  	[tilespmem:s25+$0x30] =	vst v10;
	v9 =	vld [tilespmem:s26+$0x1F0]  }
0x249: {  	[tilespmem:s25+$0xFFFFFDF0] =	vst v11;
	v10 =	vld [tilespmem:s1+$0x40]  }
0x24a: {  	v11 =	vld [tilespmem:s1+$0xFFFFFE40];
	[tilespmem:s24+$0xC0] =	vst v8  }
0x24b: {  	[tilespmem:s25+$0x168] =	vst v12;
	v8 =	vld [tilespmem:s26+$0xFFFFFEC0]  }
0x24c: {  	[tilespmem:s25+$0xFFFFFF28] =	vst v13;
	v12 =	vld [tilespmem:s1+$0x150]  }
0x24d: {  	v13 =	vld [tilespmem:s1+$0xFFFFFF50];
	[tilespmem:s24+$0x228] =	vst v9  }
0x24e: {  	[tilespmem:s25+$0x48] =	vst v10;
	v9 =	vld [tilespmem:s26+$0xFFFFFFC0]  }
0x24f: {  	[tilespmem:s25+$0xFFFFFE08] =	vst v11;
	v10 =	vld [tilespmem:s1+$0x50]  }
0x250: {  	v11 =	vld [tilespmem:s1+$0xFFFFFE50];
	[tilespmem:s24+$0xFFFFFE98] =	vst v8  }
0x251: {  	[tilespmem:s25+$0x178] =	vst v12;
	v8 =	vld [tilespmem:s26+$0xC0]  }
0x252: {  	[tilespmem:s25+$0xFFFFFF38] =	vst v13;
	v12 =	vld [tilespmem:s1+$0x160]  }
0x253: {  	v13 =	vld [tilespmem:s1+$0xFFFFFF60];
	[tilespmem:s24+$0xFFFFFFB8] =	vst v9  }
0x254: {  	[tilespmem:s25+$0x58] =	vst v10;
	v9 =	vld [tilespmem:s26+$0xFFFFFED0]  }
0x255: {  	[tilespmem:s25+$0xFFFFFE18] =	vst v11;
	v10 =	vld [tilespmem:s1+$0x60]  }
0x256: {  	v11 =	vld [tilespmem:s1+$0xFFFFFE60];
	[tilespmem:s24+$0xD8] =	vst v8  }
0x257: {  	[tilespmem:s25+$0x188] =	vst v12;
	v8 =	vld [tilespmem:s26+$0xFFFFFFD0]  }
0x258: {  	[tilespmem:s25+$0xFFFFFF48] =	vst v13;
	v12 =	vld [tilespmem:s1+$0x170]  }
0x259: {  	v13 =	vld [tilespmem:s1+$0xFFFFFF70];
	[tilespmem:s24+$0xFFFFFEA8] =	vst v9  }
0x25a: {  	[tilespmem:s25+$0x68] =	vst v10;
	v9 =	vld [tilespmem:s26+$0xD0]  }
0x25b: {  	[tilespmem:s25+$0xFFFFFE28] =	vst v11;
	v10 =	vld [tilespmem:s1+$0x70]  }
0x25c: {  	v11 =	vld [tilespmem:s1+$0xFFFFFE70];
	[tilespmem:s24+$0xFFFFFFC8] =	vst v8  }
0x25d: {  	[tilespmem:s25+$0x198] =	vst v12;
	v8 =	vld [tilespmem:s26+$0xFFFFFEE0]  }
0x25e: {  	[tilespmem:s25+$0xFFFFFF58] =	vst v13;
	v12 =	vld [tilespmem:s1+$0x180]  }
0x25f: {  	v13 =	vld [tilespmem:s1+$0xFFFFFF80];
	[tilespmem:s24+$0xE8] =	vst v9  }
0x260: {  	[tilespmem:s25+$0x78] =	vst v10;
	v9 =	vld [tilespmem:s26+$0xFFFFFFE0]  }
0x261: {  	[tilespmem:s25+$0xFFFFFE38] =	vst v11;
	v10 =	vld [tilespmem:s1+$0x80]  }
0x262: {  	v11 =	vld [tilespmem:s1+$0xFFFFFE80];
	[tilespmem:s24+$0xFFFFFEB8] =	vst v8  }
0x263: {  	[tilespmem:s25+$0x1B0] =	vst v12;
	v8 =	vld [tilespmem:s26+$0xE0]  }
0x264: {  	[tilespmem:s25+$0xFFFFFF70] =	vst v13;
	v12 =	vld [tilespmem:s1+$0x190]  }
0x265: {  	v13 =	vld [tilespmem:s1+$0xFFFFFF90];
	[tilespmem:s24+$0xFFFFFFD8] =	vst v9  }
0x266: {  	[tilespmem:s25+$0x90] =	vst v10;
	v9 =	vld [tilespmem:s26+$0xFFFFFEF0]  }
0x267: {  	[tilespmem:s25+$0xFFFFFE50] =	vst v11;
	v14 =	vld [tilespmem:s1+$0x90]  }
0x268: {  	v15 =	vld [tilespmem:s1+$0xFFFFFE90];
	[tilespmem:s24+$0xF8] =	vst v8  }
.Ltmp10:
0x269: {  	[tilespmem:s25+$0x1C0] =	vst v12;
	v8 =	vld [tilespmem:s26+$0xFFFFFFF0];
	(pc) =	sbr.rel @p0 .LBB2_17-.Ltmp10, $4  }
0x26a: {  	[tilespmem:s25+$0xFFFFFF80] =	vst v13;
	v11 =	vld [tilespmem:s1+$0x1A0]  }
0x26b: {  	v10 =	vld [tilespmem:s1+$0xFFFFFFA0];
	[tilespmem:s24+$0xFFFFFEC8] =	vst v9  }
0x26c: {  	[tilespmem:s25+$0xA0] =	vst v14;
	v9 =	vld [tilespmem:s26+$0xF0];
	s26 =	smov.u32 s1  }
0x26d: {  	s1 =	sadd.s32 $0x400, s1;
	[tilespmem:s25+$0xFFFFFE60] =	vst v15;
	v12 =	vld [tilespmem:s26+$0xA0]  }
0x26e: {  	v13 =	vld [tilespmem:s26+$0xFFFFFEA0];
	_ =	sdelay $0x1  }
0x26f: {  	[tilespmem:s25+$0x1D0] =	vst v11  }
0x270: {  	v11 =	vld [tilespmem:s26+$0x1B0];
	[tilespmem:s25+$0xFFFFFF90] =	vst v10  }
0x271: {  	[tilespmem:s25+$0xB0] =	vst v12;
	v12 =	vld [tilespmem:s26+$0xFFFFFFB0]  }
0x272: {  	[tilespmem:s25+$0xFFFFFE70] =	vst v13;
	v13 =	vld [tilespmem:s26+$0xB0]  }
0x273: {  	v10 =	vld [tilespmem:s26+$0xFFFFFEB0];
	_ =	sdelay $0x1  }
0x274: {  	[tilespmem:s25+$0x1E0] =	vst v11  }
0x275: {  	v11 =	vld [tilespmem:s26+$0x1C0];
	[tilespmem:s25+$0xFFFFFFA0] =	vst v12  }
0x276: {  	[tilespmem:s25+$0xC0] =	vst v13;
	v12 =	vld [tilespmem:s26+$0xFFFFFFC0]  }
0x277: {  	[tilespmem:s25+$0xFFFFFE80] =	vst v10;
	v13 =	vld [tilespmem:s26+$0xC0]  }
0x278: {  	v10 =	vld [tilespmem:s26+$0xFFFFFEC0];
	_ =	sdelay $0x1  }
0x279: {  	[tilespmem:s25+$0x1F8] =	vst v11  }
0x27a: {  	v11 =	vld [tilespmem:s26+$0x1D0];
	[tilespmem:s25+$0xFFFFFFB8] =	vst v12  }
0x27b: {  	[tilespmem:s25+$0xD8] =	vst v13;
	v12 =	vld [tilespmem:s26+$0xFFFFFFD0]  }
0x27c: {  	[tilespmem:s25+$0xFFFFFE98] =	vst v10;
	v13 =	vld [tilespmem:s26+$0xD0]  }
0x27d: {  	v10 =	vld [tilespmem:s26+$0xFFFFFED0];
	_ =	sdelay $0x1  }
0x27e: {  	[tilespmem:s25+$0x208] =	vst v11  }
0x27f: {  	v11 =	vld [tilespmem:s26+$0x1E0];
	[tilespmem:s25+$0xFFFFFFC8] =	vst v12  }
0x280: {  	[tilespmem:s25+$0xE8] =	vst v13;
	v12 =	vld [tilespmem:s26+$0xFFFFFFE0]  }
0x281: {  	[tilespmem:s25+$0xFFFFFEA8] =	vst v10;
	v13 =	vld [tilespmem:s26+$0xE0]  }
0x282: {  	v10 =	vld [tilespmem:s26+$0xFFFFFEE0];
	_ =	sdelay $0x1  }
0x283: {  	[tilespmem:s25+$0x218] =	vst v11  }
0x284: {  	v11 =	vld [tilespmem:s26+$0x1F0];
	[tilespmem:s25+$0xFFFFFFD8] =	vst v12  }
0x285: {  	s29 =	simm.s32 $0x0;
	[tilespmem:s25+$0xF8] =	vst v13;
	v13 =	vld [tilespmem:s26+$0xFFFFFFF0]  }
0x286: {  	s0 =	simm.s32 $0x1;
	[tilespmem:s25+$0xFFFFFEB8] =	vst v10;
	v10 =	vmov s29;
	v14 =	vld [tilespmem:s26+$0xF0]  }
0x287: {  	[tilespmem:s24+$0xFFFFFFE8] =	vst v8;
	v12 =	vld [tilespmem:s26+$0xFFFFFEF0];
	v8 =	vand.u32 $0x3C, v10;
	v10 =	vmov s0  }
0x288: {  	[tilespmem:s24+$0x108] =	vst v9;
	v9 =	vadd.s32 v0, v8;
	v10 =	vand.u32 $0x3D, v10  }
0x289: {  	p2 =	por $0x1, $0x1;
	[tilespmem:s25+$0x228] =	vst v11;
	v11 =	vadd.s32 v0, v10  }
.Ltmp11:
0x28a: {  	[tilespmem:s25+$0xFFFFFFE8] =	vst v13;
	(pc) =	sbr.rel @!p2 .LBB2_19-.Ltmp11, $4  }
0x28b: {  	[tilespmem:s25+$0x108] =	vst v14  }
0x28c: {  	[tilespmem:s25+$0xFFFFFEC8] =	vst v12  }
0x28d: {  	s8 =	simm.s32 $0x3;
	p0 =	por $0x0, $0x0;
	v9 =	vld.idx.msk [tilespmem:v9+s13+$0x0], $0xffff  }
0x28e: {  	p1 =	por $0x0, $0x0;
	s24 =	simm.s32 $0x180;
	s0 =	simm.s32 $0x4;
	v14 =	vld.idx.msk [tilespmem:v11+s13+$0x0], $0xffff  }
0x28f: {  	v11 =	vmov s8  }
0x290: {  	s1 =	simm.s32 $0x2;
	v17 =	vand.u32 $0x3F, v11  }
0x291: {  	v11 =	vmov s1;
	v12 =	vadd.s32 v0, v17  }
0x292: {  	v11 =	vand.u32 $0x3E, v11  }
0x293: {  	v13 =	vadd.s32 v0, v11;
	_ =	sdelay $0x2  }
0x294: {  	v12 =	vld.idx.msk [tilespmem:v12+s13+$0x0], $0xffff  }
0x295: {  	s20 =	simm.s32 $0x0;
	v15 =	vadd.s32 v1, v17  }
0x296: {  	v16 =	vadd.s32 v1, v10;
	s3 =	sand.u32 $0x1C00, s20;
	v13 =	vld.idx.msk [tilespmem:v13+s13+$0x0], $0xffff  }
0x297: {  	s6 =	simm.s32 $0x80;
	s7 =	sand.u32 $0x380, s24;
	s3 =	sadd.s32 $0xE800, s3;
	v18 =	vadd.s32 v1, v11  }
0x298: {  	s21 =	simm.s32 $0x100;
	s6 =	sand.u32 $0x280, s6;
	s30 =	sor.u32 s7, s3  }
0x299: {  	v19 =	vadd.s32 v1, v8;
	s25 =	sand.u32 $0x300, s21;
	s26 =	sor.u32 s6, s3;
	[tilespmem:s30+$0x0] =	vst v12  }
0x29a: {  	s28 =	sor.u32 s25, s3;
	[tilespmem:s26+$0x0] =	vst v14;
	v12 =	vld.idx.msk [tilespmem:v15+s13+$0x0], $0xffff  }
0x29b: {  	s1 =	sand.u32 $0x200, s20;
	v14 =	vld.idx.msk [tilespmem:v16+s13+$0x0], $0xffff;
	[tilespmem:s28+$0x0] =	vst v13;
	v15 =	vadd.s32 v2, v17  }
0x29c: {  	s25 =	sor.u32 s1, s3;
	v16 =	vld.idx.msk [tilespmem:v18+s13+$0x0], $0xffff;
	v18 =	vadd.s32 v2, v10  }
0x29d: {  	[tilespmem:s25+$0x0] =	vst v9  }
0x29e: {  	v9 =	vadd.s32 v2, v11;
	v19 =	vld.idx.msk [tilespmem:v19+s13+$0x0], $0xffff;
	v13 =	vmov s0  }
0x29f: {  	v20 =	vadd.s32 v2, v8;
	v13 =	vand.u32 $0x3C, v13;
	[tilespmem:s30+$0x10] =	vst v12  }
0x2a0: {  	s31 =	simm.s32 $0x5;
	[tilespmem:s26+$0x10] =	vst v14;
	v21 =	vadd.s32 v0, v13;
	v14 =	vld.idx.msk [tilespmem:v15+s13+$0x0], $0xffff  }
0x2a1: {  	v12 =	vmov s31;
	v15 =	vld.idx.msk [tilespmem:v18+s13+$0x0], $0xffff;
	[tilespmem:s28+$0x10] =	vst v16;
	v16 =	vadd.s32 v3, v17  }
0x2a2: {  	v18 =	vadd.s32 v3, v10;
	v12 =	vand.u32 $0x3D, v12  }
0x2a3: {  	[tilespmem:s25+$0x10] =	vst v19;
	v9 =	vld.idx.msk [tilespmem:v9+s13+$0x0], $0xffff;
	v24 =	vadd.s32 v0, v12  }
0x2a4: {  	p2 =	por $0x1, $0x1;
	v23 =	vadd.s32 v3, v11;
	v20 =	vld.idx.msk [tilespmem:v20+s13+$0x0], $0xffff  }
.Ltmp12:
0x2a5: {  	v19 =	vld.idx.msk [tilespmem:v21+s13+$0x0], $0xffff;
	[tilespmem:s30+$0x20] =	vst v14;
	(pc) =	sbr.rel @!p2 .LBB2_21-.Ltmp12, $4  }
0x2a6: {  	[tilespmem:s26+$0x20] =	vst v15;
	v21 =	vld.idx.msk [tilespmem:v16+s13+$0x0], $0xffff  }
0x2a7: {  	v22 =	vld.idx.msk [tilespmem:v18+s13+$0x0], $0xffff  }
0x2a8: {  	v25 =	vadd.s32 v3, v8;
	[tilespmem:s28+$0x20] =	vst v9;
	v14 =	vld.idx.msk [tilespmem:v24+s13+$0x0], $0xffff  }
0x2a9: {  	s8 =	simm.s32 $0x7;
	s29 =	simm.s32 $0x8;
	v27 =	vadd.s32 v4, v10;
	p0 =	por $0x1, $0x1;
	v26 =	vadd.s32 v4, v17;
	[tilespmem:s25+$0x20] =	vst v20;
	v23 =	vld.idx.msk [tilespmem:v23+s13+$0x0], $0xffff  }
0x2aa: {  	_ =	sdelay $0x1  }
0x2ab: {  	v9 =	vmov s8  }
0x2ac: {  	v18 =	vadd.s32 v4, v11;
	s0 =	simm.s32 $0x6;
	v15 =	vand.u32 $0x3F, v9  }
0x2ad: {  	v9 =	vld.idx.msk [tilespmem:v25+s13+$0x0], $0xffff;
	v16 =	vmov s0;
	v20 =	vadd.s32 v0, v15  }
0x2ae: {  	[tilespmem:s30+$0x30] =	vst v21;
	v21 =	vadd.s32 v4, v8;
	v16 =	vand.u32 $0x3E, v16  }
0x2af: {  	[tilespmem:s26+$0x30] =	vst v22;
	v22 =	vld.idx.msk [tilespmem:v26+s13+$0x0], $0xffff;
	v24 =	vadd.s32 v0, v16  }
0x2b0: {  	v25 =	vld.idx.msk [tilespmem:v27+s13+$0x0], $0xffff;
	[tilespmem:s28+$0x30] =	vst v23;
	v23 =	vadd.s32 v5, v17  }
0x2b1: {  	v27 =	vadd.s32 v5, v10;
	v26 =	vld.idx.msk [tilespmem:v18+s13+$0x0], $0xffff;
	v18 =	vmov s29  }
0x2b2: {  	[tilespmem:s25+$0x30] =	vst v9;
	v18 =	vand.u32 $0x3C, v18;
	v9 =	vadd.s32 v5, v11;
	v20 =	vld.idx.msk [tilespmem:v20+s13+$0x0], $0xffff  }
0x2b3: {  	s3 =	simm.s32 $0x200;
	v28 =	vadd.s32 v0, v18;
	v21 =	vld.idx.msk [tilespmem:v21+s13+$0x0], $0xffff  }
0x2b4: {  	s6 =	simm.s32 $0x280;
	s10 =	sand.u32 $0x1C00, s3;
	[tilespmem:s30+$0x40] =	vst v22;
	v22 =	vadd.s32 v1, v12;
	v24 =	vld.idx.msk [tilespmem:v24+s13+$0x0], $0xffff  }
0x2b5: {  	s6 =	sand.u32 $0x280, s6;
	v29 =	vadd.s32 v1, v15;
	s20 =	sadd.s32 $0xE800, s10;
	[tilespmem:s26+$0x40] =	vst v25;
	v23 =	vld.idx.msk [tilespmem:v23+s13+$0x0], $0xffff  }
0x2b6: {  	s1 =	simm.s32 $0x380;
	s3 =	sand.u32 $0x200, s3;
	s6 =	sor.u32 s6, s20;
	v25 =	vadd.s32 v1, v16;
	v27 =	vld.idx.msk [tilespmem:v27+s13+$0x0], $0xffff;
	[tilespmem:s28+$0x40] =	vst v26  }
0x2b7: {  	s7 =	simm.s32 $0x300;
	v30 =	vadd.s32 v6, v17;
	s21 =	sand.u32 $0x380, s1;
	s3 =	sor.u32 s3, s20;
	[tilespmem:s6+$0x0] =	vst v14;
	v26 =	vld.idx.msk [tilespmem:v9+s13+$0x0], $0xffff  }
0x2b8: {  	s7 =	sand.u32 $0x300, s7;
	s0 =	sor.u32 s21, s20;
	[tilespmem:s3+$0x0] =	vst v19;
	v9 =	vld.idx.msk [tilespmem:v28+s13+$0x0], $0xffff;
	v28 =	vadd.s32 v1, v13  }
0x2b9: {  	s7 =	sor.u32 s7, s20;
	[tilespmem:s0+$0x0] =	vst v20;
	v20 =	vadd.s32 v5, v8;
	v22 =	vld.idx.msk [tilespmem:v22+s13+$0x0], $0xffff  }
0x2ba: {  	v14 =	vld.idx.msk [tilespmem:v29+s13+$0x0], $0xffff;
	[tilespmem:s7+$0x0] =	vst v24;
	v24 =	vadd.s32 v6, v10  }
0x2bb: {  	v29 =	vadd.s32 v2, v15;
	v25 =	vld.idx.msk [tilespmem:v25+s13+$0x0], $0xffff;
	[tilespmem:s30+$0x50] =	vst v23  }
0x2bc: {  	v19 =	vadd.s32 v2, v12;
	[tilespmem:s25+$0x40] =	vst v21;
	v23 =	vld.idx.msk [tilespmem:v30+s13+$0x0], $0xffff  }
0x2bd: {  	[tilespmem:s26+$0x50] =	vst v27;
	v30 =	vadd.s32 v2, v16;
	v28 =	vld.idx.msk [tilespmem:v28+s13+$0x0], $0xffff  }
0x2be: {  	v17 =	vadd.s32 v7, v17;
	v21 =	vld.idx.msk [tilespmem:v20+s13+$0x0], $0xffff;
	[tilespmem:s6+$0x10] =	vst v22  }
0x2bf: {  	v22 =	vadd.s32 v6, v11;
	[tilespmem:s0+$0x10] =	vst v14;
	v20 =	vld.idx.msk [tilespmem:v24+s13+$0x0], $0xffff  }
0x2c0: {  	v27 =	vadd.s32 v2, v13;
	v14 =	vld.idx.msk [tilespmem:v29+s13+$0x0], $0xffff  }
0x2c1: {  	v29 =	vld.idx.msk [tilespmem:v19+s13+$0x0], $0xffff;
	[tilespmem:s7+$0x10] =	vst v25;
	v25 =	vadd.s32 v3, v15  }
0x2c2: {  	s31 =	simm.s32 $0x9;
	v24 =	vadd.s32 v6, v8;
	v30 =	vld.idx.msk [tilespmem:v30+s13+$0x0], $0xffff;
	[tilespmem:s30+$0x60] =	vst v23  }
0x2c3: {  	[tilespmem:s28+$0x50] =	vst v26;
	v19 =	vmov s31;
	v23 =	vadd.s32 v3, v12;
	v17 =	vld.idx.msk [tilespmem:v17+s13+$0x0], $0xffff  }
0x2c4: {  	v31 =	vadd.s32 v3, v16;
	v19 =	vand.u32 $0x3D, v19;
	[tilespmem:s3+$0x10] =	vst v28;
	v28 =	vld.idx.msk [tilespmem:v22+s13+$0x0], $0xffff  }
0x2c5: {  	p2 =	por $0x1, $0x1;
	v32 =	vadd.s32 v0, v19;
	v27 =	vld.idx.msk [tilespmem:v27+s13+$0x0], $0xffff;
	[tilespmem:s0+$0x20] =	vst v14  }
.Ltmp13:
0x2c6: {  	[tilespmem:s25+$0x50] =	vst v21;
	v21 =	vld.idx.msk [tilespmem:v25+s13+$0x0], $0xffff;
	v25 =	vadd.s32 v3, v13;
	(pc) =	sbr.rel @!p2 .LBB2_23-.Ltmp13, $4  }
0x2c7: {  	v24 =	vld.idx.msk [tilespmem:v24+s13+$0x0], $0xffff;
	[tilespmem:s6+$0x20] =	vst v29;
	v29 =	vadd.s32 v7, v10  }
0x2c8: {  	v22 =	vld.idx.msk [tilespmem:v23+s13+$0x0], $0xffff;
	[tilespmem:s7+$0x20] =	vst v30;
	v30 =	vadd.s32 v7, v11  }
0x2c9: {  	v26 =	vadd.s32 v4, v15;
	v23 =	vld.idx.msk [tilespmem:v31+s13+$0x0], $0xffff;
	[tilespmem:s30+$0x70] =	vst v17  }
0x2ca: {  	s8 =	simm.s32 $0xB;
	p1 =	por $0x1, $0x1;
	v14 =	vld.idx.msk [tilespmem:v32+s13+$0x0], $0xffff;
	s30 =	simm.s32 $0xC;
	[tilespmem:s3+$0x20] =	vst v27;
	v27 =	vadd.s32 v4, v12  }
.LBB2_24:
0x2cb: {  	p2 =	slt.u32 s30, $0x3C;
	v10 =	vmov s8;
	v11 =	vld.idx.msk [tilespmem:v25+s13+$0x0], $0xffff;
	v17 =	vadd.s32 v4, v16;
	[tilespmem:s26+$0x60] =	vst v20  }
0x2cc: {  	s8 =	sadd.s32 $0x2, s29;
	v25 =	vadd.s32 v7, v8;
	v8 =	vmovc v13;
	v13 =	vmov v18;
	s29 =	smov.u32 s30;
	v20 =	vand.u32 $0x3F, v10;
	v29 =	vld.idx.msk [tilespmem:v29+s13+$0x0], $0xffff;
	[tilespmem:s28+$0x60] =	vst v28  }
0x2cd: {  	v10 =	vmov s8;
	v28 =	vadd.s32 v0, v20;
	[tilespmem:s0+$0x30] =	vst v21;
	v21 =	vld.idx.msk [tilespmem:v30+s13+$0x0], $0xffff  }
0x2ce: {  	v10 =	vand.u32 $0x3E, v10;
	v30 =	vadd.s32 v4, v8;
	[tilespmem:s6+$0x30] =	vst v22;
	v22 =	vld.idx.msk [tilespmem:v26+s13+$0x0], $0xffff  }
0x2cf: {  	v26 =	vadd.s32 v0, v10;
	v27 =	vld.idx.msk [tilespmem:v27+s13+$0x0], $0xffff;
	[tilespmem:s7+$0x30] =	vst v23  }
0x2d0: {  	v23 =	vadd.s32 v5, v15;
	v17 =	vld.idx.msk [tilespmem:v17+s13+$0x0], $0xffff;
	[tilespmem:s25+$0x60] =	vst v24  }
0x2d1: {  	v18 =	vmov s30;
	[tilespmem:s3+$0x30] =	vst v11;
	v11 =	vadd.s32 v5, v12;
	v24 =	vld.idx.msk [tilespmem:v25+s13+$0x0], $0xffff  }
0x2d2: {  	v18 =	vand.u32 $0x3C, v18;
	v25 =	vld.idx.msk [tilespmem:v28+s13+$0x0], $0xffff;
	v28 =	vadd.s32 v5, v16;
	[tilespmem:s26+$0x70] =	vst v29;
	s26 =	smov.u32 s6  }
0x2d3: {  	s1 =	sadd.s32 $0x200, s1;
	v29 =	vadd.s32 v0, v18;
	v30 =	vld.idx.msk [tilespmem:v30+s13+$0x0], $0xffff;
	[tilespmem:s28+$0x70] =	vst v21;
	s28 =	smov.u32 s7  }
0x2d4: {  	s8 =	sadd.s32 $0xFFFFFF80, s1;
	s6 =	sadd.s32 $0xFFFFFE80, s1;
	s7 =	sadd.s32 $0xFFFFFF00, s1;
	v21 =	vld.idx.msk [tilespmem:v26+s13+$0x0], $0xffff;
	v26 =	vadd.s32 v1, v20;
	[tilespmem:s0+$0x40] =	vst v22  }
0x2d5: {  	s10 =	sand.u32 $0x200, s6;
	s6 =	sand.u32 $0x1C00, s6;
	s7 =	sand.u32 $0x280, s7;
	v22 =	vadd.s32 v1, v19;
	[tilespmem:s26+$0x40] =	vst v27;
	v23 =	vld.idx.msk [tilespmem:v23+s13+$0x0], $0xffff  }
0x2d6: {  	s21 =	sand.u32 $0x300, s8;
	s8 =	sand.u32 $0x380, s1;
	s20 =	sadd.s32 $0xE800, s6;
	v27 =	vadd.s32 v1, v10;
	v11 =	vld.idx.msk [tilespmem:v11+s13+$0x0], $0xffff;
	[tilespmem:s28+$0x40] =	vst v17  }
0x2d7: {  	s10 =	sor.u32 s10, s20;
	s6 =	sor.u32 s7, s20;
	s8 =	sor.u32 s8, s20;
	v17 =	vld.idx.msk [tilespmem:v28+s13+$0x0], $0xffff;
	v28 =	vadd.s32 v6, v15;
	[tilespmem:s25+$0x70] =	vst v24  }
0x2d8: {  	s7 =	sor.u32 s21, s20;
	s25 =	smov.u32 s3;
	s3 =	smov.u32 s10;
	v24 =	vld.idx.msk [tilespmem:v29+s13+$0x0], $0xffff;
	v29 =	vadd.s32 v1, v13;
	[tilespmem:s8+$0x0] =	vst v25  }
0x2d9: {  	v25 =	vadd.s32 v5, v8;
	[tilespmem:s6+$0x0] =	vst v14;
	v14 =	vld.idx.msk [tilespmem:v26+s13+$0x0], $0xffff  }
0x2da: {  	v22 =	vld.idx.msk [tilespmem:v22+s13+$0x0], $0xffff;
	[tilespmem:s7+$0x0] =	vst v21;
	v21 =	vadd.s32 v6, v12  }
0x2db: {  	v26 =	vld.idx.msk [tilespmem:v27+s13+$0x0], $0xffff;
	v27 =	vadd.s32 v2, v20;
	[tilespmem:s0+$0x50] =	vst v23  }
0x2dc: {  	v23 =	vadd.s32 v2, v19;
	[tilespmem:s3+$0x0] =	vst v9;
	v28 =	vld.idx.msk [tilespmem:v28+s13+$0x0], $0xffff  }
0x2dd: {  	v31 =	vadd.s32 v2, v10;
	v29 =	vld.idx.msk [tilespmem:v29+s13+$0x0], $0xffff;
	[tilespmem:s25+$0x40] =	vst v30  }
0x2de: {  	v9 =	vmov v24;
	v25 =	vld.idx.msk [tilespmem:v25+s13+$0x0], $0xffff;
	[tilespmem:s26+$0x50] =	vst v11;
	v11 =	vadd.s32 v7, v15;
	v15 =	vmov v20  }
0x2df: {  	v24 =	vadd.s32 v2, v13;
	[tilespmem:s8+$0x10] =	vst v14;
	v20 =	vld.idx.msk [tilespmem:v21+s13+$0x0], $0xffff  }
0x2e0: {  	v21 =	vadd.s32 v6, v16;
	[tilespmem:s6+$0x10] =	vst v22;
	v14 =	vld.idx.msk [tilespmem:v27+s13+$0x0], $0xffff  }
0x2e1: {  	v22 =	vld.idx.msk [tilespmem:v23+s13+$0x0], $0xffff;
	[tilespmem:s7+$0x10] =	vst v26;
	v23 =	vadd.s32 v6, v8  }
0x2e2: {  	s10 =	sadd.s32 $0x1, s30;
	v27 =	vadd.s32 v3, v15;
	v26 =	vld.idx.msk [tilespmem:v31+s13+$0x0], $0xffff;
	[tilespmem:s0+$0x60] =	vst v28  }
0x2e3: {  	v30 =	vadd.s32 v3, v19;
	v28 =	vmov s10;
	[tilespmem:s3+$0x10] =	vst v29;
	v11 =	vld.idx.msk [tilespmem:v11+s13+$0x0], $0xffff  }
0x2e4: {  	v33 =	vadd.s32 v3, v10;
	v31 =	vand.u32 $0x3D, v28;
	v32 =	vld.idx.msk [tilespmem:v24+s13+$0x0], $0xffff;
	[tilespmem:s28+$0x50] =	vst v17  }
0x2e5: {  	v17 =	vadd.s32 v0, v31;
	[tilespmem:s25+$0x50] =	vst v25;
	v28 =	vld.idx.msk [tilespmem:v21+s13+$0x0], $0xffff  }
.Ltmp14:
0x2e6: {  	v25 =	vadd.s32 v3, v13;
	[tilespmem:s8+$0x20] =	vst v14;
	v24 =	vld.idx.msk [tilespmem:v23+s13+$0x0], $0xffff;
	(pc) =	sbr.rel @p2 .LBB2_24-.Ltmp14, $4  }
0x2e7: {  	v29 =	vadd.s32 v7, v12;
	v12 =	vmov v19;
	v19 =	vmov v31;
	[tilespmem:s6+$0x20] =	vst v22;
	v21 =	vld.idx.msk [tilespmem:v27+s13+$0x0], $0xffff  }
0x2e8: {  	v22 =	vld.idx.msk [tilespmem:v30+s13+$0x0], $0xffff;
	[tilespmem:s7+$0x20] =	vst v26;
	v30 =	vadd.s32 v7, v16;
	v16 =	vmov v10  }
0x2e9: {  	v26 =	vadd.s32 v4, v15;
	v23 =	vld.idx.msk [tilespmem:v33+s13+$0x0], $0xffff;
	[tilespmem:s0+$0x70] =	vst v11;
	s0 =	smov.u32 s8  }
0x2ea: {  	s30 =	sadd.s32 $0x4, s30;
	v27 =	vadd.s32 v4, v12;
	s8 =	sadd.s32 $0x3, s29;
	v14 =	vld.idx.msk [tilespmem:v17+s13+$0x0], $0xffff;
	[tilespmem:s3+$0x20] =	vst v32  }
0x2eb: {  	s21 =	smov.u32 s26  }
0x2ec: {  	v31 =	vmov v8;
	s10 =	smov.u32 s28;
	s20 =	smov.u32 s25;
	v11 =	vmov v16;
	s30 =	smov.u32 s0  }
0x2ed: {  	v16 =	vmovc v13;
	v8 =	vmovc v18;
	s26 =	smov.u32 s6;
	s28 =	smov.u32 s7;
	v17 =	vmov v15;
	s25 =	smov.u32 s3;
	v15 =	vmov v12;
	v10 =	vmov v19  }
.LBB2_26:
0x2ee: {  	_ =	sdelay $0x2  }
0x2ef: {  	[tilespmem:s21+$0x60] =	vst @p1 v20  }
0x2f0: {  	v12 =	vmov s8;
	v18 =	vld.idx.msk @p0 [tilespmem:v25+s13+$0x0], $0xffff;
	[tilespmem:s10+$0x60] =	vst @p1 v28  }
0x2f1: {  	v19 =	vadd.s32 @p0 v4, v11;
	s0 =	sadd.s32 $0x2, s29;
	[tilespmem:s30+$0x30] =	vst @p0 v21;
	v13 =	vand.u32 $0x3F, v12;
	v20 =	vld.idx.msk @p1 [tilespmem:v29+s13+$0x0], $0xffff  }
0x2f2: {  	[tilespmem:s26+$0x30] =	vst @p0 v22;
	v57 =	vmov s0;
	v21 =	vld.idx.msk @p1 [tilespmem:v30+s13+$0x0], $0xffff;
	v58 =	vadd.s32 v0, v13  }
0x2f3: {  	[tilespmem:s28+$0x30] =	vst @p0 v23;
	v23 =	vadd.s32 @p1 v7, v31;
	v22 =	vld.idx.msk @p0 [tilespmem:v26+s13+$0x0], $0xffff;
	s0 =	sadd.s32 @p0 $0x200, s1;
	v12 =	vand.u32 $0x3E, v57  }
0x2f4: {  	[tilespmem:s20+$0x60] =	vst @p1 v24;
	v27 =	vld.idx.msk @p0 [tilespmem:v27+s13+$0x0], $0xffff;
	s24 =	smov.u32 @p0 s0;
	v59 =	vadd.s32 v0, v12  }
0x2f5: {  	v24 =	vadd.s32 @p0 v4, v16;
	s3 =	sadd.s32 $0xFFFFFE80, s24;
	[tilespmem:s25+$0x30] =	vst @p0 v18  }
0x2f6: {  	v62 =	vadd.s32 v1, v10;
	s8 =	sadd.s32 $0xFFFFFF00, s24;
	s6 =	sand.u32 $0x1C00, s3;
	v19 =	vld.idx.msk @p0 [tilespmem:v19+s13+$0x0], $0xffff;
	[tilespmem:s21+$0x70] =	vst @p1 v20  }
0x2f7: {  	s1 =	sand.u32 $0x280, s8;
	v18 =	vadd.s32 @p0 v5, v17;
	s6 =	sadd.s32 $0xE800, s6;
	[tilespmem:s10+$0x70] =	vst @p1 v21;
	v25 =	vld.idx.msk [tilespmem:v58+s13+$0x0], $0xffff  }
0x2f8: {  	v60 =	vadd.s32 v1, v13;
	v23 =	vld.idx.msk @p1 [tilespmem:v23+s13+$0x0], $0xffff;
	[tilespmem:s30+$0x40] =	vst @p0 v22;
	s10 =	sand.u32 $0x380, s24;
	s21 =	sadd.s32 $0xFFFFFF80, s24;
	s1 =	sor.u32 s1, s6  }
0x2f9: {  	v30 =	vadd.s32 v1, v8;
	[tilespmem:s26+$0x40] =	vst @p0 v27;
	s0 =	sor.u32 s10, s6;
	s8 =	sand.u32 $0x300, s21;
	s10 =	sand.u32 $0x200, s3;
	v61 =	vld.idx.msk [tilespmem:v59+s13+$0x0], $0xffff  }
0x2fa: {  	v63 =	vadd.s32 v1, v12;
	v24 =	vld.idx.msk @p0 [tilespmem:v24+s13+$0x0], $0xffff;
	[tilespmem:s1+$0x0] =	vst v14;
	s24 =	sor.u32 s8, s6;
	s6 =	sor.u32 s10, s6  }
0x2fb: {  	v27 =	vadd.s32 @p0 v5, v15;
	v32 =	vld.idx.msk [tilespmem:v62+s13+$0x0], $0xffff;
	[tilespmem:s6+$0x0] =	vst v9  }
0x2fc: {  	s7 =	smov.u32 @p0 s28;
	v35 =	vadd.s32 v2, v10;
	v18 =	vld.idx.msk @p0 [tilespmem:v18+s13+$0x0], $0xffff;
	[tilespmem:s0+$0x0] =	vst v25  }
0x2fd: {  	v14 =	vadd.s32 @p0 v5, v16;
	[tilespmem:s7+$0x40] =	vst @p0 v19;
	v31 =	vld.idx.msk [tilespmem:v60+s13+$0x0], $0xffff  }
0x2fe: {  	v33 =	vadd.s32 v2, v13;
	s8 =	smov.u32 @p0 s25;
	v19 =	vld.idx.msk [tilespmem:v30+s13+$0x0], $0xffff;
	[tilespmem:s24+$0x0] =	vst v61  }
0x2ff: {  	v37 =	vadd.s32 v2, v8;
	[tilespmem:s8+$0x40] =	vst @p0 v24;
	v34 =	vld.idx.msk [tilespmem:v63+s13+$0x0], $0xffff  }
0x300: {  	v36 =	vadd.s32 v2, v12;
	v26 =	vld.idx.msk @p0 [tilespmem:v27+s13+$0x0], $0xffff;
	[tilespmem:s1+$0x10] =	vst v32  }
0x301: {  	v27 =	vadd.s32 @p0 v6, v17;
	v9 =	vld.idx.msk [tilespmem:v35+s13+$0x0], $0xffff;
	[tilespmem:s30+$0x50] =	vst @p0 v18  }
0x302: {  	v40 =	vadd.s32 v3, v10;
	v14 =	vld.idx.msk @p0 [tilespmem:v14+s13+$0x0], $0xffff;
	[tilespmem:s0+$0x10] =	vst v31  }
0x303: {  	v25 =	vadd.s32 @p0 v5, v11;
	[tilespmem:s6+$0x10] =	vst v19;
	v38 =	vld.idx.msk [tilespmem:v33+s13+$0x0], $0xffff  }
0x304: {  	v39 =	vadd.s32 v3, v13;
	v18 =	vld.idx.msk [tilespmem:v37+s13+$0x0], $0xffff;
	[tilespmem:s24+$0x10] =	vst v34  }
0x305: {  	v42 =	vadd.s32 v3, v8;
	[tilespmem:s20+$0x70] =	vst @p1 v23;
	v22 =	vld.idx.msk [tilespmem:v36+s13+$0x0], $0xffff  }
0x306: {  	v41 =	vadd.s32 v3, v12;
	v24 =	vld.idx.msk @p0 [tilespmem:v27+s13+$0x0], $0xffff;
	[tilespmem:s1+$0x20] =	vst v9  }
0x307: {  	v17 =	vadd.s32 @p0 v7, v17;
	[tilespmem:s26+$0x50] =	vst @p0 v26;
	v19 =	vld.idx.msk [tilespmem:v40+s13+$0x0], $0xffff  }
0x308: {  	v46 =	vadd.s32 v4, v10;
	v25 =	vld.idx.msk @p0 [tilespmem:v25+s13+$0x0], $0xffff;
	[tilespmem:s0+$0x20] =	vst v38  }
0x309: {  	v26 =	vadd.s32 @p0 v6, v11;
	[tilespmem:s6+$0x20] =	vst v18;
	v43 =	vld.idx.msk [tilespmem:v39+s13+$0x0], $0xffff  }
0x30a: {  	v44 =	vadd.s32 v4, v13;
	v47 =	vld.idx.msk [tilespmem:v42+s13+$0x0], $0xffff;
	[tilespmem:s24+$0x20] =	vst v22  }
0x30b: {  	v49 =	vadd.s32 v4, v8;
	[tilespmem:s30+$0x60] =	vst @p0 v24;
	v45 =	vld.idx.msk [tilespmem:v41+s13+$0x0], $0xffff  }
0x30c: {  	v48 =	vadd.s32 v4, v12;
	v17 =	vld.idx.msk @p0 [tilespmem:v17+s13+$0x0], $0xffff;
	[tilespmem:s1+$0x30] =	vst v19  }
0x30d: {  	v27 =	vadd.s32 @p0 v6, v15;
	[tilespmem:s7+$0x50] =	vst @p0 v25;
	v18 =	vld.idx.msk [tilespmem:v46+s13+$0x0], $0xffff  }
0x30e: {  	v52 =	vadd.s32 v5, v10;
	v25 =	vld.idx.msk @p0 [tilespmem:v26+s13+$0x0], $0xffff;
	[tilespmem:s0+$0x30] =	vst v43  }
0x30f: {  	v9 =	vadd.s32 @p0 v6, v16;
	[tilespmem:s6+$0x30] =	vst v47;
	v50 =	vld.idx.msk [tilespmem:v44+s13+$0x0], $0xffff  }
0x310: {  	v51 =	vadd.s32 v5, v13;
	v54 =	vld.idx.msk [tilespmem:v49+s13+$0x0], $0xffff;
	[tilespmem:s24+$0x30] =	vst v45  }
0x311: {  	v55 =	vadd.s32 v5, v8;
	[tilespmem:s8+$0x50] =	vst @p0 v14;
	v21 =	vld.idx.msk [tilespmem:v48+s13+$0x0], $0xffff  }
0x312: {  	v53 =	vadd.s32 v5, v12;
	v24 =	vld.idx.msk @p0 [tilespmem:v27+s13+$0x0], $0xffff;
	[tilespmem:s1+$0x40] =	vst v18  }
0x313: {  	[tilespmem:s30+$0x70] =	vst @p0 v17;
	v57 =	vld.idx.msk [tilespmem:v52+s13+$0x0], $0xffff  }
0x314: {  	v59 =	vadd.s32 v6, v10;
	v15 =	vadd.s32 @p0 v7, v15;
	v9 =	vld.idx.msk @p0 [tilespmem:v9+s13+$0x0], $0xffff;
	[tilespmem:s0+$0x40] =	vst v50  }
0x315: {  	v15 =	vpsel p0, v15, v0;
	[tilespmem:s6+$0x40] =	vst v54;
	v56 =	vld.idx.msk [tilespmem:v51+s13+$0x0], $0xffff  }
0x316: {  	v58 =	vadd.s32 v6, v13;
	s7 =	smov.u32 @p0 s7;
	v23 =	vpsel p0, v25, v0;
	v17 =	vld.idx.msk [tilespmem:v55+s13+$0x0], $0xffff;
	[tilespmem:s24+$0x40] =	vst v21  }
0x317: {  	v61 =	vadd.s32 v6, v8;
	[tilespmem:s7+$0x60] =	vst @p0 v23;
	v14 =	vld.idx.msk [tilespmem:v53+s13+$0x0], $0xffff  }
0x318: {  	s10 =	smov.u32 @p0 s26;
	v60 =	vadd.s32 v6, v12;
	v11 =	vadd.s32 @p0 v7, v11;
	v21 =	vpsel p0, v24, v0;
	[tilespmem:s1+$0x50] =	vst v57  }
0x319: {  	v11 =	vpsel p0, v11, v0;
	v16 =	vpsel p0, v16, v0;
	[tilespmem:s10+$0x60] =	vst @p0 v21;
	v19 =	vld.idx.msk [tilespmem:v59+s13+$0x0], $0xffff  }
0x31a: {  	v16 =	vadd.s32 @p0 v7, v16;
	v15 =	vld.idx.msk @p0 [tilespmem:v15+s13+$0x0], $0xffff;
	[tilespmem:s0+$0x50] =	vst v56  }
0x31b: {  	v62 =	vadd.s32 v7, v10;
	[tilespmem:s6+$0x50] =	vst v17;
	v18 =	vld.idx.msk [tilespmem:v58+s13+$0x0], $0xffff  }
0x31c: {  	v13 =	vadd.s32 v7, v13;
	s8 =	smov.u32 @p0 s8;
	v9 =	vpsel p0, v9, v0;
	v63 =	vld.idx.msk [tilespmem:v61+s13+$0x0], $0xffff;
	[tilespmem:s24+$0x50] =	vst v14  }
0x31d: {  	v8 =	vadd.s32 v7, v8;
	[tilespmem:s8+$0x60] =	vst @p0 v9;
	v14 =	vld.idx.msk [tilespmem:v60+s13+$0x0], $0xffff  }
0x31e: {  	v12 =	vadd.s32 v7, v12;
	v11 =	vld.idx.msk @p0 [tilespmem:v11+s13+$0x0], $0xffff;
	[tilespmem:s1+$0x60] =	vst v19  }
0x31f: {  	[tilespmem:s10+$0x70] =	vst @p0 v15;
	v15 =	vld.idx.msk @p0 [tilespmem:v16+s13+$0x0], $0xffff  }
0x320: {  	v10 =	vld.idx.msk [tilespmem:v62+s13+$0x0], $0xffff;
	[tilespmem:s0+$0x60] =	vst v18  }
0x321: {  	[tilespmem:s6+$0x60] =	vst v63;
	v13 =	vld.idx.msk [tilespmem:v13+s13+$0x0], $0xffff  }
0x322: {  	s25 =	sadd.s32 s5, s23;
	v8 =	vld.idx.msk [tilespmem:v8+s13+$0x0], $0xffff;
	[tilespmem:s24+$0x60] =	vst v14  }
0x323: {  	s22 =	sadd.s32 $0x1, s22;
	s26 =	sshrl.u32 s25, $0x7;
	[tilespmem:s7+$0x70] =	vst @p0 v11;
	v12 =	vld.idx.msk [tilespmem:v12+s13+$0x0], $0xffff  }
0x324: {  	s28 =	sshll.u32 s25, $0xA;
	s29 =	sshll.u32 s26, $0x11;
	[tilespmem:s8+$0x70] =	vst @p0 v15;
	p0 =	sne.s32 s22, $0x64  }
.Ltmp15:
0x325: {  	s31 =	ssub.s32 s28, s29;
	s30 =	sshll.u32 s26, $0x14;
	[tilespmem:s1+$0x70] =	vst v10;
	(pc) =	sbr.rel @p0 .LBB2_2-.Ltmp15, $4  }
.Ltmp16:
0x326: {  	[tilespmem:s0+$0x70] =	vst v13;
	s0 =	sadd.s32 s30, s31;
	(pc) =	sbr.rel @!p0 .LBB2_27-.Ltmp16, $4  }
0x327: {  	[tilespmem:s6+$0x70] =	vst v8;
	s0 =	sshrl.u32 s0, $0x3  }
0x328: {  	[tilespmem:s24+$0x70] =	vst v12;
	s0 =	sadd.s32 s2, s0  }
0x329: {  	[hbm4b:s0+s14] =	stream.strided.scatter [tilespmem:s19], [sflag:$0x4], $0x2000, s15, s14, $0x38;
	[tilespmem:$0x10800] =	vst v63  }
0x32a: {  	_ = 	snop  }
.LBB2_5:
.Ltmp17:
0x32b: {  	(pc) =	sbr.rel .LBB2_12-.Ltmp17, $2  }
0x32c: {  	_ =	sdelay $0x2  }
0x32d: {  	s1 =	simm.s32 $0x180  }
.LBB2_19:
.Ltmp18:
0x32e: {  	(pc) =	sbr.rel .LBB2_26-.Ltmp18, $2  }
0x32f: {  	_ =	sdelay $0x2  }
0x330: {  	s1 =	simm.s32 $0x180  }
.LBB2_7:
.Ltmp19:
0x331: {  	(pc) =	sbr.rel .LBB2_12-.Ltmp19, $2  }
0x332: {  	_ =	sdelay $0x2  }
0x333: {  	v16 =	vmovc v8;
	v15 =	vmovc v10;
	s30 =	simm.s32 $0x4;
	v8 =	vmov v13;
	s1 =	simm.s32 $0x180;
	v10 =	vmov v12;
	v9 =	vmov v19  }
.LBB2_21:
.Ltmp20:
0x334: {  	(pc) =	sbr.rel .LBB2_26-.Ltmp20, $2  }
0x335: {  	_ =	sdelay $0x2  }
0x336: {  	v16 =	vmovc v8;
	v15 =	vmovc v10;
	s29 =	simm.s32 $0x4;
	v8 =	vmov v13;
	s1 =	simm.s32 $0x180;
	v10 =	vmov v12;
	v9 =	vmov v19  }
.LBB2_9:
.Ltmp21:
0x337: {  	(pc) =	sbr.rel .LBB2_12-.Ltmp21, $4  }
0x338: {  	_ = 	snop  }
0x339: {  	s21 =	smov.u32 s6  }
0x33a: {  	v31 =	vmov v8;
	s10 =	smov.u32 s7;
	s20 =	smov.u32 s3;
	v11 =	vmov v16;
	s0 =	smov.u32 s31  }
0x33b: {  	v16 =	vmovc v13;
	v8 =	vmovc v18;
	s6 =	smov.u32 s28;
	s7 =	smov.u32 s29;
	v17 =	vmov v15;
	s3 =	smov.u32 s26;
	v15 =	vmov v12;
	v10 =	vmov v19  }
.LBB2_23:
.Ltmp22:
0x33c: {  	(pc) =	sbr.rel .LBB2_26-.Ltmp22, $4  }
0x33d: {  	_ = 	snop  }
0x33e: {  	s21 =	smov.u32 s26  }
0x33f: {  	v31 =	vmov v8;
	s10 =	smov.u32 s28;
	s20 =	smov.u32 s25;
	v11 =	vmov v16;
	s30 =	smov.u32 s0  }
0x340: {  	v16 =	vmovc v13;
	v8 =	vmovc v18;
	s26 =	smov.u32 s6;
	s28 =	smov.u32 s7;
	v17 =	vmov v15;
	s25 =	smov.u32 s3;
	v15 =	vmov v12;
	v10 =	vmov v19  }
.LBB2_28:
0x341: {  	_ =	sfence.sel $0x180000  }
0x342: {  	[bflag:$0x0] =	sbarrier.arrive $0xFFFF  }
0x343: {  	_ =	strace $0x90000047  }
0x344: {  	s0 =	stileid.u32;
	[bflag:$0x2] =	sbarrier.arrive $0xFFFF  }
0x345: {  	p0 =	sne.s32 s0, $0x0;
	s0 =	rddreg [dreg:$0x2]  }
0x346: {  	s0 =	sadd.s32 @!p0 $0x100000, s0  }
0x347: {  	[sflag:s0] =	ssyncadd.tile.s32 @!p0 $0x1;
	_ =	shalt  }
.Lfunc_end2:
_tile_overlayer_lowered:
.L_overlay_start_2:
0x348: {  	(tag) =	ssettag $0x2  }
0x349: {  	s0 =	rddreg [dreg:$0x0];
	s2 =	stileid.u32  }
0x34a: {  	s1 =	rddreg [dreg:$0x1];
	p0 =	sne.s32 s2, $0x0  }
0x34b: {  	s3 =	rddreg [dreg:$0x2];
	[bflag:$0x3] =	sbarrier.arrive $0xFFFF;
	s2 =	simm.s32 @!p0 $0x1C05  }
0x34c: {  	[timem:s3], [sflag:s2] =	dma.local @!p0 [hbm:s0], s1  }
0x34d: {  	s0 =	simm.s32 @!p0 $0x5  }
0x34e: {  	_ =	swait.ge @!p0 [sflag:s0], s1  }
0x34f: {  	s1 =	ssub.s32 @!p0 $0x0, s1;
	[sflag:s0] =	ssyncset.done @!p0 $0x0  }
0x350: {  	[sflag:s0] =	ssyncadd.s32 @!p0 s1  }
0x351: {  	[bflag:$0x3] =	sbarrier.arrive $0xFFFF  }
0x352: {  	_ =	shalt  }

</sc_bundles>
